<compile_context>
chip_gen: v7x
topology: tpu7x:2x2x1
jax: 0.10.2.dev20260603
libtpu: 0.0.44.dev20260713+nightly
codegen_flags: <defaults>
</compile_context>

<pallas_src>
import functools

import jax
import jax.numpy as jnp
from jax import lax
from jax.experimental import pallas as pl
from jax.experimental.pallas import tpu as pltpu
from jax.experimental.pallas import tpu_sc as plsc

N_NODES = 10000
N_EDGES = 320000
D = 128

NC = 2
NS = 16
NW = NC * NS
EPW = N_EDGES // NW
CHUNK = 112
NFULL = EPW // CHUNK
NCH = NFULL + 1
TAILR = EPW - NFULL * CHUNK
NPAD = 10240
RPT = NPAD // NS
R = 3


def _sc_body(x_hbm, src_hbm, dst_hbm, tail_hbm, zeros_hbm, out_hbm,
             acc, idxb, rows, si, sg, sc):
    c = lax.axis_index("c")
    s = lax.axis_index("s")
    wid = s * NC + c

    pltpu.sync_copy(zeros_hbm.at[pl.ds(s * RPT, RPT)],
                    acc.at[pl.ds(s * RPT, RPT)])
    plsc.subcore_barrier()

    def start_idx(g, b):
        @pl.when(g < NFULL)
        def _():
            base = wid * EPW + g * CHUNK
            pltpu.async_copy(src_hbm.at[pl.ds(base, CHUNK)],
                             idxb[b].at[0], si[b])
            pltpu.async_copy(dst_hbm.at[pl.ds(base, CHUNK)],
                             idxb[b].at[1], si[b])

        @pl.when(g >= NFULL)
        def _():
            pltpu.async_copy(tail_hbm.at[wid, 0], idxb[b].at[0], si[b])
            pltpu.async_copy(tail_hbm.at[wid, 1], idxb[b].at[1], si[b])

    def wait_idx(b):
        pltpu.make_async_copy(src_hbm.at[pl.ds(0, CHUNK)], idxb[b].at[0],
                              si[b]).wait()
        pltpu.make_async_copy(dst_hbm.at[pl.ds(0, CHUNK)], idxb[b].at[1],
                              si[b]).wait()

    def start_gather(b):
        pltpu.async_copy(x_hbm.at[idxb[b].at[0]], rows[b], sg[b])

    def wait_gather(b):
        pltpu.make_async_copy(x_hbm.at[idxb[b].at[0]], rows[b], sg[b]).wait()

    def start_scatter(b):
        pltpu.async_copy(rows[b], acc.at[idxb[b].at[1]], sc[b], add=True)

    def wait_scatter(b):
        pltpu.make_async_copy(rows[b], acc.at[idxb[b].at[1]], sc[b]).wait()

    start_idx(0, 0)
    start_idx(1, 1)
    for t in range(R - 2):
        wait_idx(t)
        start_gather(t)
        start_idx(t + 2, t + 2)
    wait_idx(R - 2)
    start_gather(R - 2)
    for t in range(R - 2):
        wait_gather(t)
        start_scatter(t)

    def body(k, carry):
        g0 = R * k
        for j in range(R):
            b2 = (j - 2) % R
            wait_scatter(j)
            start_idx(g0 + j, j)
            wait_idx((j - 1) % R)
            start_gather((j - 1) % R)
            wait_gather(b2)
            start_scatter(b2)
        return carry

    lax.fori_loop(1, NCH // R, body, 0, unroll=False)

    wait_idx(R - 1)
    start_gather(R - 1)
    wait_gather(R - 2)
    start_scatter(R - 2)
    wait_gather(R - 1)
    start_scatter(R - 1)
    for t in range(R):
        wait_scatter(t)

    plsc.subcore_barrier()
    pltpu.sync_copy(acc.at[pl.ds(s * RPT, RPT)],
                    out_hbm.at[c, pl.ds(s * RPT, RPT)])


@functools.partial(
    pl.kernel,
    out_type=jax.ShapeDtypeStruct((NC, NPAD, D), jnp.float32),
    mesh=plsc.VectorSubcoreMesh(core_axis_name="c", subcore_axis_name="s"),
    scratch_types=[
        pltpu.VMEM_SHARED((NPAD, D), jnp.float32),
        [pltpu.VMEM((2, CHUNK), jnp.int32) for _ in range(R)],
        [pltpu.VMEM((CHUNK, D), jnp.float32) for _ in range(R)],
        [pltpu.SemaphoreType.DMA for _ in range(R)],
        [pltpu.SemaphoreType.DMA for _ in range(R)],
        [pltpu.SemaphoreType.DMA for _ in range(R)],
    ],
)
def _sc_pool(x_hbm, src_hbm, dst_hbm, tail_hbm, zeros_hbm, out_hbm,
             acc, idxb, rows, si, sg, sc):
    _sc_body(x_hbm, src_hbm, dst_hbm, tail_hbm, zeros_hbm, out_hbm,
             acc, idxb, rows, si, sg, sc)


def _tc_dense_body(x_ref, p0_ref, p1_ref, w_ref, b_ref, o_ref):
    pooled = p0_ref[...] + p1_ref[...]
    h = (jnp.dot(x_ref[...], w_ref[:D, :], preferred_element_type=jnp.float32)
         + jnp.dot(pooled, w_ref[D:, :], preferred_element_type=jnp.float32)
         + b_ref[...])
    o_ref[...] = jnp.maximum(h, 0.0)


def _tc_dense(x, p0, p1, W, b2):
    blk = 1000
    grid = (N_NODES // blk,)
    return pl.pallas_call(
        _tc_dense_body,
        grid=grid,
        in_specs=[
            pl.BlockSpec((blk, D), lambda i: (i, 0)),
            pl.BlockSpec((blk, D), lambda i: (i, 0)),
            pl.BlockSpec((blk, D), lambda i: (i, 0)),
            pl.BlockSpec((2 * D, D), lambda i: (0, 0)),
            pl.BlockSpec((1, D), lambda i: (0, 0)),
        ],
        out_specs=pl.BlockSpec((blk, D), lambda i: (i, 0)),
        out_shape=jax.ShapeDtypeStruct((N_NODES, D), jnp.float32),
    )(x, p0, p1, W, b2)


def kernel(x, edge_index, W, b):
    ei = edge_index.astype(jnp.int32)
    src = ei[0]
    dst = ei[1]
    lane = jnp.arange(CHUNK - TAILR, dtype=jnp.int32)
    pad_s = jnp.broadcast_to((lane * 89) % N_NODES, (NW, CHUNK - TAILR))
    pad_d = jnp.broadcast_to(N_NODES + (lane * 7) % (NPAD - N_NODES),
                             (NW, CHUNK - TAILR))
    s_tail = jnp.concatenate(
        [src.reshape(NW, EPW)[:, NFULL * CHUNK:], pad_s], axis=1)
    d_tail = jnp.concatenate(
        [dst.reshape(NW, EPW)[:, NFULL * CHUNK:], pad_d], axis=1)
    tail = jnp.stack([s_tail, d_tail], axis=1)
    zeros = jnp.zeros((NPAD, D), jnp.float32)
    partials = _sc_pool(x, src, dst, tail, zeros)
    p0 = partials[0, :N_NODES]
    p1 = partials[1, :N_NODES]
    return _tc_dense(x, p0, p1, W, b.reshape(1, D))

# --- scband reference (transcript-rebuilt; emitter-appended) ---
"""Pipeline reference for scband-list-node-set-update-17961553232565 (READ-ONLY COPY).

The authoritative reference and input builder live on the scoring server;
editing this copy changes nothing except your own understanding.
"""

import jax, jax.numpy as jnp
import numpy as np

N_NODES = 10000
N_EDGES = 320000
D_FEAT = 128
D_OUT = 128


def setup_inputs(seed: int = 0) -> dict:
    key = jax.random.key(seed)
    k_x, k_e, k_w = jax.random.split(key, 3)
    x = jax.random.normal(k_x, (N_NODES, D_FEAT), dtype=jnp.float32)
    edge_index = jax.random.randint(k_e, (2, N_EDGES), 0, N_NODES, dtype=jnp.int64)
    # next_state params: dense layer on concat([node_state, pooled_edge_input])
    W = jax.random.normal(k_w, (2 * D_FEAT, D_OUT), dtype=jnp.float32) * 0.05
    b = jnp.zeros((D_OUT,), dtype=jnp.float32)
    return {"x": x, "edge_index": edge_index, "W": W, "b": b}


def reference(x, edge_index, W, b):
    # ListNodeSetUpdate with one edge set input (EdgesToNodePooling: broadcast
    # source node hidden state to edges, then sum-pool to destination nodes),
    # followed by NextStateFromConcat(Dense + relu).
    src = edge_index[0]
    dst = edge_index[1]
    # broadcast source node state to each edge (gather)
    messages = jnp.take(x, src, axis=0)
    # pool edge values to destination nodes (scatter-add / segment_sum)
    pooled = jax.ops.segment_sum(messages, dst, num_segments=x.shape[0])
    # next_state_inputs = (node_state, [edge_set_input], context_inputs={})
    h = jnp.concatenate([x, pooled], axis=-1)
    return jax.nn.relu(h @ W + b)

if __name__ == "__main__":
    import jax
    _d = setup_inputs()
    print(jax.jit(kernel)(*tuple(_d.values())))

</pallas_src>

<mosaic_0001>
#map = affine_map<(d0, d1) -> (0, 0)>
#map1 = affine_map<(d0, d1) -> (0)>
#map2 = affine_map<(d0, d1) -> (0, 0, 0)>
module attributes {stable_mosaic.version = 14 : i64} {
  func.func @_sc_pool(%arg0: i32, %arg1: i32, %arg2: memref<10000x128xf32, #tpu.memory_space<hbm>>, %arg3: memref<320000xi32, #tpu.memory_space<hbm>>, %arg4: memref<320000xi32, #tpu.memory_space<hbm>>, %arg5: memref<32x2x112xi32, #tpu.memory_space<hbm>>, %arg6: memref<10240x128xf32, #tpu.memory_space<hbm>>, %arg7: memref<2x10240x128xf32, #tpu.memory_space<hbm>>, %arg8: memref<10240x128xf32, #tpu.memory_space<vmem_shared>>, %arg9: memref<2x112xi32, #tpu.memory_space<vmem>>, %arg10: memref<2x112xi32, #tpu.memory_space<vmem>>, %arg11: memref<2x112xi32, #tpu.memory_space<vmem>>, %arg12: memref<112x128xf32, #tpu.memory_space<vmem>>, %arg13: memref<112x128xf32, #tpu.memory_space<vmem>>, %arg14: memref<112x128xf32, #tpu.memory_space<vmem>>, %arg15: memref<!tpu.dma_semaphore, #tpu.memory_space<semaphore_mem>>, %arg16: memref<!tpu.dma_semaphore, #tpu.memory_space<semaphore_mem>>, %arg17: memref<!tpu.dma_semaphore, #tpu.memory_space<semaphore_mem>>, %arg18: memref<!tpu.dma_semaphore, #tpu.memory_space<semaphore_mem>>, %arg19: memref<!tpu.dma_semaphore, #tpu.memory_space<semaphore_mem>>, %arg20: memref<!tpu.dma_semaphore, #tpu.memory_space<semaphore_mem>>, %arg21: memref<!tpu.dma_semaphore, #tpu.memory_space<semaphore_mem>>, %arg22: memref<!tpu.dma_semaphore, #tpu.memory_space<semaphore_mem>>, %arg23: memref<!tpu.dma_semaphore, #tpu.memory_space<semaphore_mem>>) attributes {dimension_semantics = [#tpu.dimension_semantics<core_parallel>, #tpu.dimension_semantics<subcore_parallel>], iteration_bounds = array<i64: 2, 16>, scalar_prefetch = 0 : i64, scratch_operands = 16 : i64, tpu.core_type = #tpu.core_type<sc_vector_subcore>, window_params = [{transform_indices = #map}, {transform_indices = #map1}, {transform_indices = #map1}, {transform_indices = #map2}, {transform_indices = #map}, {transform_indices = #map2}]} {
    %mul3A = arith.constant 2 : i32
    %mul3A_0 = arith.muli %arg1, %mul3A : i32
    %add3A = arith.addi %mul3A_0, %arg0 : i32
    %mul3A_1 = arith.constant 640 : i32
    %mul3A_2 = arith.muli %arg1, %mul3A_1 : i32
    %mul3A_3 = arith.constant 640 : i32
    %mul3A_4 = arith.muli %arg1, %mul3A_3 : i32
    "tpu.region"() ({
      %run_scoped3A = tpu.sem_alloc : memref<!tpu.dma_semaphore, #tpu.memory_space<semaphore_mem>>
      %dma_start3A_229 = arith.constant 0 : i32
      %dma_start3A_230 = tpu.memref_slice %arg8[%mul3A_4, %dma_start3A_229] : memref<10240x128xf32, #tpu.memory_space<vmem_shared>> -> memref<640x128xf32, #tpu.memory_space<vmem_shared>>
      %dma_start3A_231 = arith.constant 0 : i32
      %dma_start3A_232 = tpu.memref_slice %arg6[%mul3A_2, %dma_start3A_231] : memref<10240x128xf32, #tpu.memory_space<hbm>> -> memref<640x128xf32, #tpu.memory_space<hbm>>
      tpu.enqueue_dma source(%dma_start3A_232 : memref<640x128xf32, #tpu.memory_space<hbm>>) target(%dma_start3A_230 : memref<640x128xf32, #tpu.memory_space<vmem_shared>>) target_semaphore(%run_scoped3A : memref<!tpu.dma_semaphore, #tpu.memory_space<semaphore_mem>>)
      %dma_wait3A_233 = arith.constant 0 : i32
      %dma_wait3A_234 = tpu.memref_slice %arg8[%mul3A_4, %dma_wait3A_233] : memref<10240x128xf32, #tpu.memory_space<vmem_shared>> -> memref<640x128xf32, #tpu.memory_space<vmem_shared>>
      %dma_wait3A_235 = arith.constant 0 : i32
      %dma_wait3A_236 = tpu.memref_slice %arg6[%mul3A_2, %dma_wait3A_235] : memref<10240x128xf32, #tpu.memory_space<hbm>> -> memref<640x128xf32, #tpu.memory_space<hbm>>
      tpu.wait_dma2 semaphore(%run_scoped3A : memref<!tpu.dma_semaphore, #tpu.memory_space<semaphore_mem>>) src(%dma_wait3A_236 : memref<640x128xf32, #tpu.memory_space<hbm>>) dst(%dma_wait3A_234 : memref<640x128xf32, #tpu.memory_space<vmem_shared>>)
      tpu.yield
    }) : () -> ()
    %barrier3A = arith.constant 0 : index
    tpu.barrier barrier_id(%barrier3A)
    %mul3A_5 = arith.constant 10000 : i32
    %mul3A_6 = arith.muli %add3A, %mul3A_5 : i32
    %add3A_7 = arith.constant 0 : i32
    %add3A_8 = arith.addi %mul3A_6, %add3A_7 : i32
    %dma_start3A = arith.constant 0 : i32
    %dma_start3A_9 = arith.constant 0 : i32
    %dma_start3A_10 = tpu.memref_slice %arg9[%dma_start3A, %dma_start3A_9] : memref<2x112xi32, #tpu.memory_space<vmem>> -> memref<1x112xi32, #tpu.memory_space<vmem>>
    %dma_start3A_11 = tpu.memref_squeeze %dma_start3A_10 : memref<1x112xi32, #tpu.memory_space<vmem>> -> memref<112xi32, #tpu.memory_space<vmem>>
    %dma_start3A_12 = tpu.memref_slice %arg3[%add3A_8] : memref<320000xi32, #tpu.memory_space<hbm>> -> memref<112xi32, #tpu.memory_space<hbm>>
    %dma_start3A_13 = arith.constant 0 : i32
    %dma_start3A_14 = tpu.memref_slice %arg9[%dma_start3A, %dma_start3A_13] : memref<2x112xi32, #tpu.memory_space<vmem>> -> memref<1x112xi32, #tpu.memory_space<vmem>>
    %dma_start3A_15 = tpu.memref_squeeze %dma_start3A_14 : memref<1x112xi32, #tpu.memory_space<vmem>> -> memref<112xi32, #tpu.memory_space<vmem>>
    %dma_start3A_16 = tpu.memref_slice %arg3[%add3A_8] : memref<320000xi32, #tpu.memory_space<hbm>> -> memref<112xi32, #tpu.memory_space<hbm>>
    tpu.enqueue_dma source(%dma_start3A_16 : memref<112xi32, #tpu.memory_space<hbm>>) target(%dma_start3A_15 : memref<112xi32, #tpu.memory_space<vmem>>) target_semaphore(%arg15 : memref<!tpu.dma_semaphore, #tpu.memory_space<semaphore_mem>>)
    %dma_start3A_17 = arith.constant 1 : i32
    %dma_start3A_18 = arith.constant 0 : i32
    %dma_start3A_19 = tpu.memref_slice %arg9[%dma_start3A_17, %dma_start3A_18] : memref<2x112xi32, #tpu.memory_space<vmem>> -> memref<1x112xi32, #tpu.memory_space<vmem>>
    %dma_start3A_20 = tpu.memref_squeeze %dma_start3A_19 : memref<1x112xi32, #tpu.memory_space<vmem>> -> memref<112xi32, #tpu.memory_space<vmem>>
    %dma_start3A_21 = tpu.memref_slice %arg4[%add3A_8] : memref<320000xi32, #tpu.memory_space<hbm>> -> memref<112xi32, #tpu.memory_space<hbm>>
    %dma_start3A_22 = arith.constant 0 : i32
    %dma_start3A_23 = tpu.memref_slice %arg9[%dma_start3A_17, %dma_start3A_22] : memref<2x112xi32, #tpu.memory_space<vmem>> -> memref<1x112xi32, #tpu.memory_space<vmem>>
    %dma_start3A_24 = tpu.memref_squeeze %dma_start3A_23 : memref<1x112xi32, #tpu.memory_space<vmem>> -> memref<112xi32, #tpu.memory_space<vmem>>
    %dma_start3A_25 = tpu.memref_slice %arg4[%add3A_8] : memref<320000xi32, #tpu.memory_space<hbm>> -> memref<112xi32, #tpu.memory_space<hbm>>
    tpu.enqueue_dma source(%dma_start3A_25 : memref<112xi32, #tpu.memory_space<hbm>>) target(%dma_start3A_24 : memref<112xi32, #tpu.memory_space<vmem>>) target_semaphore(%arg15 : memref<!tpu.dma_semaphore, #tpu.memory_space<semaphore_mem>>)
    %mul3A_26 = arith.constant 10000 : i32
    %mul3A_27 = arith.muli %add3A, %mul3A_26 : i32
    %add3A_28 = arith.constant 112 : i32
    %add3A_29 = arith.addi %mul3A_27, %add3A_28 : i32
    %dma_start3A_30 = arith.constant 0 : i32
    %dma_start3A_31 = arith.constant 0 : i32
    %dma_start3A_32 = tpu.memref_slice %arg10[%dma_start3A_30, %dma_start3A_31] : memref<2x112xi32, #tpu.memory_space<vmem>> -> memref<1x112xi32, #tpu.memory_space<vmem>>
    %dma_start3A_33 = tpu.memref_squeeze %dma_start3A_32 : memref<1x112xi32, #tpu.memory_space<vmem>> -> memref<112xi32, #tpu.memory_space<vmem>>
    %dma_start3A_34 = tpu.memref_slice %arg3[%add3A_29] : memref<320000xi32, #tpu.memory_space<hbm>> -> memref<112xi32, #tpu.memory_space<hbm>>
    %dma_start3A_35 = arith.constant 0 : i32
    %dma_start3A_36 = tpu.memref_slice %arg10[%dma_start3A_30, %dma_start3A_35] : memref<2x112xi32, #tpu.memory_space<vmem>> -> memref<1x112xi32, #tpu.memory_space<vmem>>
    %dma_start3A_37 = tpu.memref_squeeze %dma_start3A_36 : memref<1x112xi32, #tpu.memory_space<vmem>> -> memref<112xi32, #tpu.memory_space<vmem>>
    %dma_start3A_38 = tpu.memref_slice %arg3[%add3A_29] : memref<320000xi32, #tpu.memory_space<hbm>> -> memref<112xi32, #tpu.memory_space<hbm>>
    tpu.enqueue_dma source(%dma_start3A_38 : memref<112xi32, #tpu.memory_space<hbm>>) target(%dma_start3A_37 : memref<112xi32, #tpu.memory_space<vmem>>) target_semaphore(%arg16 : memref<!tpu.dma_semaphore, #tpu.memory_space<semaphore_mem>>)
    %dma_start3A_39 = arith.constant 1 : i32
    %dma_start3A_40 = arith.constant 0 : i32
    %dma_start3A_41 = tpu.memref_slice %arg10[%dma_start3A_39, %dma_start3A_40] : memref<2x112xi32, #tpu.memory_space<vmem>> -> memref<1x112xi32, #tpu.memory_space<vmem>>
    %dma_start3A_42 = tpu.memref_squeeze %dma_start3A_41 : memref<1x112xi32, #tpu.memory_space<vmem>> -> memref<112xi32, #tpu.memory_space<vmem>>
    %dma_start3A_43 = tpu.memref_slice %arg4[%add3A_29] : memref<320000xi32, #tpu.memory_space<hbm>> -> memref<112xi32, #tpu.memory_space<hbm>>
    %dma_start3A_44 = arith.constant 0 : i32
    %dma_start3A_45 = tpu.memref_slice %arg10[%dma_start3A_39, %dma_start3A_44] : memref<2x112xi32, #tpu.memory_space<vmem>> -> memref<1x112xi32, #tpu.memory_space<vmem>>
    %dma_start3A_46 = tpu.memref_squeeze %dma_start3A_45 : memref<1x112xi32, #tpu.memory_space<vmem>> -> memref<112xi32, #tpu.memory_space<vmem>>
    %dma_start3A_47 = tpu.memref_slice %arg4[%add3A_29] : memref<320000xi32, #tpu.memory_space<hbm>> -> memref<112xi32, #tpu.memory_space<hbm>>
    tpu.enqueue_dma source(%dma_start3A_47 : memref<112xi32, #tpu.memory_space<hbm>>) target(%dma_start3A_46 : memref<112xi32, #tpu.memory_space<vmem>>) target_semaphore(%arg16 : memref<!tpu.dma_semaphore, #tpu.memory_space<semaphore_mem>>)
    %dma_wait3A = arith.constant 0 : i32
    %dma_wait3A_48 = arith.constant 0 : i32
    %dma_wait3A_49 = tpu.memref_slice %arg9[%dma_wait3A, %dma_wait3A_48] : memref<2x112xi32, #tpu.memory_space<vmem>> -> memref<1x112xi32, #tpu.memory_space<vmem>>
    %dma_wait3A_50 = tpu.memref_squeeze %dma_wait3A_49 : memref<1x112xi32, #tpu.memory_space<vmem>> -> memref<112xi32, #tpu.memory_space<vmem>>
    %dma_wait3A_51 = arith.constant 0 : i32
    %dma_wait3A_52 = tpu.memref_slice %arg3[%dma_wait3A_51] : memref<320000xi32, #tpu.memory_space<hbm>> -> memref<112xi32, #tpu.memory_space<hbm>>
    %dma_wait3A_53 = arith.constant 0 : i32
    %dma_wait3A_54 = tpu.memref_slice %arg9[%dma_wait3A, %dma_wait3A_53] : memref<2x112xi32, #tpu.memory_space<vmem>> -> memref<1x112xi32, #tpu.memory_space<vmem>>
    %dma_wait3A_55 = tpu.memref_squeeze %dma_wait3A_54 : memref<1x112xi32, #tpu.memory_space<vmem>> -> memref<112xi32, #tpu.memory_space<vmem>>
    %dma_wait3A_56 = arith.constant 0 : i32
    %dma_wait3A_57 = tpu.memref_slice %arg3[%dma_wait3A_56] : memref<320000xi32, #tpu.memory_space<hbm>> -> memref<112xi32, #tpu.memory_space<hbm>>
    tpu.wait_dma2 semaphore(%arg15 : memref<!tpu.dma_semaphore, #tpu.memory_space<semaphore_mem>>) src(%dma_wait3A_57 : memref<112xi32, #tpu.memory_space<hbm>>) dst(%dma_wait3A_55 : memref<112xi32, #tpu.memory_space<vmem>>)
    %dma_wait3A_58 = arith.constant 1 : i32
    %dma_wait3A_59 = arith.constant 0 : i32
    %dma_wait3A_60 = tpu.memref_slice %arg9[%dma_wait3A_58, %dma_wait3A_59] : memref<2x112xi32, #tpu.memory_space<vmem>> -> memref<1x112xi32, #tpu.memory_space<vmem>>
    %dma_wait3A_61 = tpu.memref_squeeze %dma_wait3A_60 : memref<1x112xi32, #tpu.memory_space<vmem>> -> memref<112xi32, #tpu.memory_space<vmem>>
    %dma_wait3A_62 = arith.constant 0 : i32
    %dma_wait3A_63 = tpu.memref_slice %arg4[%dma_wait3A_62] : memref<320000xi32, #tpu.memory_space<hbm>> -> memref<112xi32, #tpu.memory_space<hbm>>
    %dma_wait3A_64 = arith.constant 0 : i32
    %dma_wait3A_65 = tpu.memref_slice %arg9[%dma_wait3A_58, %dma_wait3A_64] : memref<2x112xi32, #tpu.memory_space<vmem>> -> memref<1x112xi32, #tpu.memory_space<vmem>>
    %dma_wait3A_66 = tpu.memref_squeeze %dma_wait3A_65 : memref<1x112xi32, #tpu.memory_space<vmem>> -> memref<112xi32, #tpu.memory_space<vmem>>
    %dma_wait3A_67 = arith.constant 0 : i32
    %dma_wait3A_68 = tpu.memref_slice %arg4[%dma_wait3A_67] : memref<320000xi32, #tpu.memory_space<hbm>> -> memref<112xi32, #tpu.memory_space<hbm>>
    tpu.wait_dma2 semaphore(%arg15 : memref<!tpu.dma_semaphore, #tpu.memory_space<semaphore_mem>>) src(%dma_wait3A_68 : memref<112xi32, #tpu.memory_space<hbm>>) dst(%dma_wait3A_66 : memref<112xi32, #tpu.memory_space<vmem>>)
    %dma_start3A_69 = arith.constant 0 : i32
    %dma_start3A_70 = arith.constant 0 : i32
    %dma_start3A_71 = tpu.memref_slice %arg9[%dma_start3A_69, %dma_start3A_70] : memref<2x112xi32, #tpu.memory_space<vmem>> -> memref<1x112xi32, #tpu.memory_space<vmem>>
    %dma_start3A_72 = tpu.memref_squeeze %dma_start3A_71 : memref<1x112xi32, #tpu.memory_space<vmem>> -> memref<112xi32, #tpu.memory_space<vmem>>
    %dma_start3A_73 = arith.constant 0 : i32
    %dma_start3A_74 = arith.constant 0 : i32
    %dma_start3A_75 = tpu.memref_slice %arg2[%dma_start3A_73, %dma_start3A_74] : memref<10000x128xf32, #tpu.memory_space<hbm>> -> memref<10000x128xf32, #tpu.memory_space<hbm>>
    tpu.enqueue_indirect_dma source(%dma_start3A_75 : memref<10000x128xf32, #tpu.memory_space<hbm>>) target(%arg12 : memref<112x128xf32, #tpu.memory_space<vmem>>) offsets(%dma_start3A_72 : memref<112xi32, #tpu.memory_space<vmem>>) semaphore(%arg18 : memref<!tpu.dma_semaphore, #tpu.memory_space<semaphore_mem>>)
    %mul3A_76 = arith.constant 10000 : i32
    %mul3A_77 = arith.muli %add3A, %mul3A_76 : i32
    %add3A_78 = arith.constant 224 : i32
    %add3A_79 = arith.addi %mul3A_77, %add3A_78 : i32
    %dma_start3A_80 = arith.constant 0 : i32
    %dma_start3A_81 = arith.constant 0 : i32
    %dma_start3A_82 = tpu.memref_slice %arg11[%dma_start3A_80, %dma_start3A_81] : memref<2x112xi32, #tpu.memory_space<vmem>> -> memref<1x112xi32, #tpu.memory_space<vmem>>
    %dma_start3A_83 = tpu.memref_squeeze %dma_start3A_82 : memref<1x112xi32, #tpu.memory_space<vmem>> -> memref<112xi32, #tpu.memory_space<vmem>>
    %dma_start3A_84 = tpu.memref_slice %arg3[%add3A_79] : memref<320000xi32, #tpu.memory_space<hbm>> -> memref<112xi32, #tpu.memory_space<hbm>>
    %dma_start3A_85 = arith.constant 0 : i32
    %dma_start3A_86 = tpu.memref_slice %arg11[%dma_start3A_80, %dma_start3A_85] : memref<2x112xi32, #tpu.memory_space<vmem>> -> memref<1x112xi32, #tpu.memory_space<vmem>>
    %dma_start3A_87 = tpu.memref_squeeze %dma_start3A_86 : memref<1x112xi32, #tpu.memory_space<vmem>> -> memref<112xi32, #tpu.memory_space<vmem>>
    %dma_start3A_88 = tpu.memref_slice %arg3[%add3A_79] : memref<320000xi32, #tpu.memory_space<hbm>> -> memref<112xi32, #tpu.memory_space<hbm>>
    tpu.enqueue_dma source(%dma_start3A_88 : memref<112xi32, #tpu.memory_space<hbm>>) target(%dma_start3A_87 : memref<112xi32, #tpu.memory_space<vmem>>) target_semaphore(%arg17 : memref<!tpu.dma_semaphore, #tpu.memory_space<semaphore_mem>>)
    %dma_start3A_89 = arith.constant 1 : i32
    %dma_start3A_90 = arith.constant 0 : i32
    %dma_start3A_91 = tpu.memref_slice %arg11[%dma_start3A_89, %dma_start3A_90] : memref<2x112xi32, #tpu.memory_space<vmem>> -> memref<1x112xi32, #tpu.memory_space<vmem>>
    %dma_start3A_92 = tpu.memref_squeeze %dma_start3A_91 : memref<1x112xi32, #tpu.memory_space<vmem>> -> memref<112xi32, #tpu.memory_space<vmem>>
    %dma_start3A_93 = tpu.memref_slice %arg4[%add3A_79] : memref<320000xi32, #tpu.memory_space<hbm>> -> memref<112xi32, #tpu.memory_space<hbm>>
    %dma_start3A_94 = arith.constant 0 : i32
    %dma_start3A_95 = tpu.memref_slice %arg11[%dma_start3A_89, %dma_start3A_94] : memref<2x112xi32, #tpu.memory_space<vmem>> -> memref<1x112xi32, #tpu.memory_space<vmem>>
    %dma_start3A_96 = tpu.memref_squeeze %dma_start3A_95 : memref<1x112xi32, #tpu.memory_space<vmem>> -> memref<112xi32, #tpu.memory_space<vmem>>
    %dma_start3A_97 = tpu.memref_slice %arg4[%add3A_79] : memref<320000xi32, #tpu.memory_space<hbm>> -> memref<112xi32, #tpu.memory_space<hbm>>
    tpu.enqueue_dma source(%dma_start3A_97 : memref<112xi32, #tpu.memory_space<hbm>>) target(%dma_start3A_96 : memref<112xi32, #tpu.memory_space<vmem>>) target_semaphore(%arg17 : memref<!tpu.dma_semaphore, #tpu.memory_space<semaphore_mem>>)
    %dma_wait3A_98 = arith.constant 0 : i32
    %dma_wait3A_99 = arith.constant 0 : i32
    %dma_wait3A_100 = tpu.memref_slice %arg10[%dma_wait3A_98, %dma_wait3A_99] : memref<2x112xi32, #tpu.memory_space<vmem>> -> memref<1x112xi32, #tpu.memory_space<vmem>>
    %dma_wait3A_101 = tpu.memref_squeeze %dma_wait3A_100 : memref<1x112xi32, #tpu.memory_space<vmem>> -> memref<112xi32, #tpu.memory_space<vmem>>
    %dma_wait3A_102 = arith.constant 0 : i32
    %dma_wait3A_103 = tpu.memref_slice %arg3[%dma_wait3A_102] : memref<320000xi32, #tpu.memory_space<hbm>> -> memref<112xi32, #tpu.memory_space<hbm>>
    %dma_wait3A_104 = arith.constant 0 : i32
    %dma_wait3A_105 = tpu.memref_slice %arg10[%dma_wait3A_98, %dma_wait3A_104] : memref<2x112xi32, #tpu.memory_space<vmem>> -> memref<1x112xi32, #tpu.memory_space<vmem>>
    %dma_wait3A_106 = tpu.memref_squeeze %dma_wait3A_105 : memref<1x112xi32, #tpu.memory_space<vmem>> -> memref<112xi32, #tpu.memory_space<vmem>>
    %dma_wait3A_107 = arith.constant 0 : i32
    %dma_wait3A_108 = tpu.memref_slice %arg3[%dma_wait3A_107] : memref<320000xi32, #tpu.memory_space<hbm>> -> memref<112xi32, #tpu.memory_space<hbm>>
    tpu.wait_dma2 semaphore(%arg16 : memref<!tpu.dma_semaphore, #tpu.memory_space<semaphore_mem>>) src(%dma_wait3A_108 : memref<112xi32, #tpu.memory_space<hbm>>) dst(%dma_wait3A_106 : memref<112xi32, #tpu.memory_space<vmem>>)
    %dma_wait3A_109 = arith.constant 1 : i32
    %dma_wait3A_110 = arith.constant 0 : i32
    %dma_wait3A_111 = tpu.memref_slice %arg10[%dma_wait3A_109, %dma_wait3A_110] : memref<2x112xi32, #tpu.memory_space<vmem>> -> memref<1x112xi32, #tpu.memory_space<vmem>>
    %dma_wait3A_112 = tpu.memref_squeeze %dma_wait3A_111 : memref<1x112xi32, #tpu.memory_space<vmem>> -> memref<112xi32, #tpu.memory_space<vmem>>
    %dma_wait3A_113 = arith.constant 0 : i32
    %dma_wait3A_114 = tpu.memref_slice %arg4[%dma_wait3A_113] : memref<320000xi32, #tpu.memory_space<hbm>> -> memref<112xi32, #tpu.memory_space<hbm>>
    %dma_wait3A_115 = arith.constant 0 : i32
    %dma_wait3A_116 = tpu.memref_slice %arg10[%dma_wait3A_109, %dma_wait3A_115] : memref<2x112xi32, #tpu.memory_space<vmem>> -> memref<1x112xi32, #tpu.memory_space<vmem>>
    %dma_wait3A_117 = tpu.memref_squeeze %dma_wait3A_116 : memref<1x112xi32, #tpu.memory_space<vmem>> -> memref<112xi32, #tpu.memory_space<vmem>>
    %dma_wait3A_118 = arith.constant 0 : i32
    %dma_wait3A_119 = tpu.memref_slice %arg4[%dma_wait3A_118] : memref<320000xi32, #tpu.memory_space<hbm>> -> memref<112xi32, #tpu.memory_space<hbm>>
    tpu.wait_dma2 semaphore(%arg16 : memref<!tpu.dma_semaphore, #tpu.memory_space<semaphore_mem>>) src(%dma_wait3A_119 : memref<112xi32, #tpu.memory_space<hbm>>) dst(%dma_wait3A_117 : memref<112xi32, #tpu.memory_space<vmem>>)
    %dma_start3A_120 = arith.constant 0 : i32
    %dma_start3A_121 = arith.constant 0 : i32
    %dma_start3A_122 = tpu.memref_slice %arg10[%dma_start3A_120, %dma_start3A_121] : memref<2x112xi32, #tpu.memory_space<vmem>> -> memref<1x112xi32, #tpu.memory_space<vmem>>
    %dma_start3A_123 = tpu.memref_squeeze %dma_start3A_122 : memref<1x112xi32, #tpu.memory_space<vmem>> -> memref<112xi32, #tpu.memory_space<vmem>>
    %dma_start3A_124 = arith.constant 0 : i32
    %dma_start3A_125 = arith.constant 0 : i32
    %dma_start3A_126 = tpu.memref_slice %arg2[%dma_start3A_124, %dma_start3A_125] : memref<10000x128xf32, #tpu.memory_space<hbm>> -> memref<10000x128xf32, #tpu.memory_space<hbm>>
    tpu.enqueue_indirect_dma source(%dma_start3A_126 : memref<10000x128xf32, #tpu.memory_space<hbm>>) target(%arg13 : memref<112x128xf32, #tpu.memory_space<vmem>>) offsets(%dma_start3A_123 : memref<112xi32, #tpu.memory_space<vmem>>) semaphore(%arg19 : memref<!tpu.dma_semaphore, #tpu.memory_space<semaphore_mem>>)
    %dma_wait3A_127 = arith.constant 0 : i32
    %dma_wait3A_128 = arith.constant 0 : i32
    %dma_wait3A_129 = tpu.memref_slice %arg9[%dma_wait3A_127, %dma_wait3A_128] : memref<2x112xi32, #tpu.memory_space<vmem>> -> memref<1x112xi32, #tpu.memory_space<vmem>>
    %dma_wait3A_130 = tpu.memref_squeeze %dma_wait3A_129 : memref<1x112xi32, #tpu.memory_space<vmem>> -> memref<112xi32, #tpu.memory_space<vmem>>
    %dma_wait3A_131 = arith.constant 0 : i32
    %dma_wait3A_132 = arith.constant 0 : i32
    %dma_wait3A_133 = tpu.memref_slice %arg2[%dma_wait3A_131, %dma_wait3A_132] : memref<10000x128xf32, #tpu.memory_space<hbm>> -> memref<10000x128xf32, #tpu.memory_space<hbm>>
    tpu.wait_indirect_dma semaphore(%arg18 : memref<!tpu.dma_semaphore, #tpu.memory_space<semaphore_mem>>) src(%dma_wait3A_133 : memref<10000x128xf32, #tpu.memory_space<hbm>>) dst(%arg12 : memref<112x128xf32, #tpu.memory_space<vmem>>)
    %dma_start3A_134 = arith.constant 1 : i32
    %dma_start3A_135 = arith.constant 0 : i32
    %dma_start3A_136 = tpu.memref_slice %arg9[%dma_start3A_134, %dma_start3A_135] : memref<2x112xi32, #tpu.memory_space<vmem>> -> memref<1x112xi32, #tpu.memory_space<vmem>>
    %dma_start3A_137 = tpu.memref_squeeze %dma_start3A_136 : memref<1x112xi32, #tpu.memory_space<vmem>> -> memref<112xi32, #tpu.memory_space<vmem>>
    %dma_start3A_138 = arith.constant 0 : i32
    %dma_start3A_139 = arith.constant 0 : i32
    %dma_start3A_140 = tpu.memref_slice %arg8[%dma_start3A_138, %dma_start3A_139] : memref<10240x128xf32, #tpu.memory_space<vmem_shared>> -> memref<10240x128xf32, #tpu.memory_space<vmem_shared>>
    tpu.enqueue_indirect_dma source(%arg12 : memref<112x128xf32, #tpu.memory_space<vmem>>) target(%dma_start3A_140 : memref<10240x128xf32, #tpu.memory_space<vmem_shared>>) offsets(%dma_start3A_137 : memref<112xi32, #tpu.memory_space<vmem>>) semaphore(%arg21 : memref<!tpu.dma_semaphore, #tpu.memory_space<semaphore_mem>>) {add = true}
    %scan3A = arith.constant 0 : i32
    %scan3A_141 = arith.constant 1 : i32
    %scan3A_142 = arith.constant 29 : i32
    %scan3A_143 = arith.addi %scan3A_141, %scan3A_142 : i32
    %scan3A_144 = arith.constant 1 : i32
    scf.for %scan3A_229 = %scan3A_141 to %scan3A_143 step %scan3A_144  : i32 {
      %mul3A_230 = arith.constant 3 : i32
      %mul3A_231 = arith.muli %mul3A_230, %scan3A_229 : i32
      %dma_wait3A_232 = arith.constant 1 : i32
      %dma_wait3A_233 = arith.constant 0 : i32
      %dma_wait3A_234 = tpu.memref_slice %arg9[%dma_wait3A_232, %dma_wait3A_233] : memref<2x112xi32, #tpu.memory_space<vmem>> -> memref<1x112xi32, #tpu.memory_space<vmem>>
      %dma_wait3A_235 = tpu.memref_squeeze %dma_wait3A_234 : memref<1x112xi32, #tpu.memory_space<vmem>> -> memref<112xi32, #tpu.memory_space<vmem>>
      %dma_wait3A_236 = arith.constant 0 : i32
      %dma_wait3A_237 = arith.constant 0 : i32
      %dma_wait3A_238 = tpu.memref_slice %arg8[%dma_wait3A_236, %dma_wait3A_237] : memref<10240x128xf32, #tpu.memory_space<vmem_shared>> -> memref<10240x128xf32, #tpu.memory_space<vmem_shared>>
      tpu.wait_indirect_dma semaphore(%arg21 : memref<!tpu.dma_semaphore, #tpu.memory_space<semaphore_mem>>) src(%arg12 : memref<112x128xf32, #tpu.memory_space<vmem>>) dst(%dma_wait3A_238 : memref<10240x128xf32, #tpu.memory_space<vmem_shared>>)
      %add3A_239 = arith.constant 0 : i32
      %add3A_240 = arith.addi %mul3A_231, %add3A_239 : i32
      %lt3A = arith.constant 89 : i32
      %lt3A_241 = arith.cmpi slt, %add3A_240, %lt3A : i32
      %convert_element_type3A = arith.extui %lt3A_241 : i1 to i32
      %cond3A = arith.constant 0 : i32
      %cond3A_242 = arith.cmpi ne, %convert_element_type3A, %cond3A : i32
      scf.if %cond3A_242 {
        %mul3A_414 = arith.constant 10000 : i32
        %mul3A_415 = arith.muli %add3A, %mul3A_414 : i32
        %mul3A_416 = arith.constant 112 : i32
        %mul3A_417 = arith.muli %add3A_240, %mul3A_416 : i32
        %add3A_418 = arith.addi %mul3A_415, %mul3A_417 : i32
        %dma_start3A_419 = arith.constant 0 : i32
        %dma_start3A_420 = arith.constant 0 : i32
        %dma_start3A_421 = tpu.memref_slice %arg9[%dma_start3A_419, %dma_start3A_420] : memref<2x112xi32, #tpu.memory_space<vmem>> -> memref<1x112xi32, #tpu.memory_space<vmem>>
        %dma_start3A_422 = tpu.memref_squeeze %dma_start3A_421 : memref<1x112xi32, #tpu.memory_space<vmem>> -> memref<112xi32, #tpu.memory_space<vmem>>
        %dma_start3A_423 = tpu.memref_slice %arg3[%add3A_418] : memref<320000xi32, #tpu.memory_space<hbm>> -> memref<112xi32, #tpu.memory_space<hbm>>
        %dma_start3A_424 = arith.constant 0 : i32
        %dma_start3A_425 = tpu.memref_slice %arg9[%dma_start3A_419, %dma_start3A_424] : memref<2x112xi32, #tpu.memory_space<vmem>> -> memref<1x112xi32, #tpu.memory_space<vmem>>
        %dma_start3A_426 = tpu.memref_squeeze %dma_start3A_425 : memref<1x112xi32, #tpu.memory_space<vmem>> -> memref<112xi32, #tpu.memory_space<vmem>>
        %dma_start3A_427 = tpu.memref_slice %arg3[%add3A_418] : memref<320000xi32, #tpu.memory_space<hbm>> -> memref<112xi32, #tpu.memory_space<hbm>>
        tpu.enqueue_dma source(%dma_start3A_427 : memref<112xi32, #tpu.memory_space<hbm>>) target(%dma_start3A_426 : memref<112xi32, #tpu.memory_space<vmem>>) target_semaphore(%arg15 : memref<!tpu.dma_semaphore, #tpu.memory_space<semaphore_mem>>)
        %dma_start3A_428 = arith.constant 1 : i32
        %dma_start3A_429 = arith.constant 0 : i32
        %dma_start3A_430 = tpu.memref_slice %arg9[%dma_start3A_428, %dma_start3A_429] : memref<2x112xi32, #tpu.memory_space<vmem>> -> memref<1x112xi32, #tpu.memory_space<vmem>>
        %dma_start3A_431 = tpu.memref_squeeze %dma_start3A_430 : memref<1x112xi32, #tpu.memory_space<vmem>> -> memref<112xi32, #tpu.memory_space<vmem>>
        %dma_start3A_432 = tpu.memref_slice %arg4[%add3A_418] : memref<320000xi32, #tpu.memory_space<hbm>> -> memref<112xi32, #tpu.memory_space<hbm>>
        %dma_start3A_433 = arith.constant 0 : i32
        %dma_start3A_434 = tpu.memref_slice %arg9[%dma_start3A_428, %dma_start3A_433] : memref<2x112xi32, #tpu.memory_space<vmem>> -> memref<1x112xi32, #tpu.memory_space<vmem>>
        %dma_start3A_435 = tpu.memref_squeeze %dma_start3A_434 : memref<1x112xi32, #tpu.memory_space<vmem>> -> memref<112xi32, #tpu.memory_space<vmem>>
        %dma_start3A_436 = tpu.memref_slice %arg4[%add3A_418] : memref<320000xi32, #tpu.memory_space<hbm>> -> memref<112xi32, #tpu.memory_space<hbm>>
        tpu.enqueue_dma source(%dma_start3A_436 : memref<112xi32, #tpu.memory_space<hbm>>) target(%dma_start3A_435 : memref<112xi32, #tpu.memory_space<vmem>>) target_semaphore(%arg15 : memref<!tpu.dma_semaphore, #tpu.memory_space<semaphore_mem>>)
      } else {
      }
      %ge3A = arith.constant 89 : i32
      %ge3A_243 = arith.cmpi sge, %add3A_240, %ge3A : i32
      %convert_element_type3A_244 = arith.extui %ge3A_243 : i1 to i32
      %cond3A_245 = arith.constant 0 : i32
      %cond3A_246 = arith.cmpi ne, %convert_element_type3A_244, %cond3A_245 : i32
      scf.if %cond3A_246 {
        %dma_start3A_414 = arith.constant 0 : i32
        %dma_start3A_415 = arith.constant 0 : i32
        %dma_start3A_416 = arith.constant 0 : i32
        %dma_start3A_417 = tpu.memref_slice %arg9[%dma_start3A_415, %dma_start3A_416] : memref<2x112xi32, #tpu.memory_space<vmem>> -> memref<1x112xi32, #tpu.memory_space<vmem>>
        %dma_start3A_418 = tpu.memref_squeeze %dma_start3A_417 : memref<1x112xi32, #tpu.memory_space<vmem>> -> memref<112xi32, #tpu.memory_space<vmem>>
        %dma_start3A_419 = arith.constant 0 : i32
        %dma_start3A_420 = tpu.memref_slice %arg5[%add3A, %dma_start3A_414, %dma_start3A_419] : memref<32x2x112xi32, #tpu.memory_space<hbm>> -> memref<1x1x112xi32, #tpu.memory_space<hbm>>
        %dma_start3A_421 = tpu.memref_squeeze %dma_start3A_420 : memref<1x1x112xi32, #tpu.memory_space<hbm>> -> memref<112xi32, #tpu.memory_space<hbm>>
        %dma_start3A_422 = arith.constant 0 : i32
        %dma_start3A_423 = tpu.memref_slice %arg9[%dma_start3A_415, %dma_start3A_422] : memref<2x112xi32, #tpu.memory_space<vmem>> -> memref<1x112xi32, #tpu.memory_space<vmem>>
        %dma_start3A_424 = tpu.memref_squeeze %dma_start3A_423 : memref<1x112xi32, #tpu.memory_space<vmem>> -> memref<112xi32, #tpu.memory_space<vmem>>
        %dma_start3A_425 = arith.constant 0 : i32
        %dma_start3A_426 = tpu.memref_slice %arg5[%add3A, %dma_start3A_414, %dma_start3A_425] : memref<32x2x112xi32, #tpu.memory_space<hbm>> -> memref<1x1x112xi32, #tpu.memory_space<hbm>>
        %dma_start3A_427 = tpu.memref_squeeze %dma_start3A_426 : memref<1x1x112xi32, #tpu.memory_space<hbm>> -> memref<112xi32, #tpu.memory_space<hbm>>
        tpu.enqueue_dma source(%dma_start3A_427 : memref<112xi32, #tpu.memory_space<hbm>>) target(%dma_start3A_424 : memref<112xi32, #tpu.memory_space<vmem>>) target_semaphore(%arg15 : memref<!tpu.dma_semaphore, #tpu.memory_space<semaphore_mem>>)
        %dma_start3A_428 = arith.constant 1 : i32
        %dma_start3A_429 = arith.constant 1 : i32
        %dma_start3A_430 = arith.constant 0 : i32
        %dma_start3A_431 = tpu.memref_slice %arg9[%dma_start3A_429, %dma_start3A_430] : memref<2x112xi32, #tpu.memory_space<vmem>> -> memref<1x112xi32, #tpu.memory_space<vmem>>
        %dma_start3A_432 = tpu.memref_squeeze %dma_start3A_431 : memref<1x112xi32, #tpu.memory_space<vmem>> -> memref<112xi32, #tpu.memory_space<vmem>>
        %dma_start3A_433 = arith.constant 0 : i32
        %dma_start3A_434 = tpu.memref_slice %arg5[%add3A, %dma_start3A_428, %dma_start3A_433] : memref<32x2x112xi32, #tpu.memory_space<hbm>> -> memref<1x1x112xi32, #tpu.memory_space<hbm>>
        %dma_start3A_435 = tpu.memref_squeeze %dma_start3A_434 : memref<1x1x112xi32, #tpu.memory_space<hbm>> -> memref<112xi32, #tpu.memory_space<hbm>>
        %dma_start3A_436 = arith.constant 0 : i32
        %dma_start3A_437 = tpu.memref_slice %arg9[%dma_start3A_429, %dma_start3A_436] : memref<2x112xi32, #tpu.memory_space<vmem>> -> memref<1x112xi32, #tpu.memory_space<vmem>>
        %dma_start3A_438 = tpu.memref_squeeze %dma_start3A_437 : memref<1x112xi32, #tpu.memory_space<vmem>> -> memref<112xi32, #tpu.memory_space<vmem>>
        %dma_start3A_439 = arith.constant 0 : i32
        %dma_start3A_440 = tpu.memref_slice %arg5[%add3A, %dma_start3A_428, %dma_start3A_439] : memref<32x2x112xi32, #tpu.memory_space<hbm>> -> memref<1x1x112xi32, #tpu.memory_space<hbm>>
        %dma_start3A_441 = tpu.memref_squeeze %dma_start3A_440 : memref<1x1x112xi32, #tpu.memory_space<hbm>> -> memref<112xi32, #tpu.memory_space<hbm>>
        tpu.enqueue_dma source(%dma_start3A_441 : memref<112xi32, #tpu.memory_space<hbm>>) target(%dma_start3A_438 : memref<112xi32, #tpu.memory_space<vmem>>) target_semaphore(%arg15 : memref<!tpu.dma_semaphore, #tpu.memory_space<semaphore_mem>>)
      } else {
      }
      %dma_wait3A_247 = arith.constant 0 : i32
      %dma_wait3A_248 = arith.constant 0 : i32
      %dma_wait3A_249 = tpu.memref_slice %arg11[%dma_wait3A_247, %dma_wait3A_248] : memref<2x112xi32, #tpu.memory_space<vmem>> -> memref<1x112xi32, #tpu.memory_space<vmem>>
      %dma_wait3A_250 = tpu.memref_squeeze %dma_wait3A_249 : memref<1x112xi32, #tpu.memory_space<vmem>> -> memref<112xi32, #tpu.memory_space<vmem>>
      %dma_wait3A_251 = arith.constant 0 : i32
      %dma_wait3A_252 = tpu.memref_slice %arg3[%dma_wait3A_251] : memref<320000xi32, #tpu.memory_space<hbm>> -> memref<112xi32, #tpu.memory_space<hbm>>
      %dma_wait3A_253 = arith.constant 0 : i32
      %dma_wait3A_254 = tpu.memref_slice %arg11[%dma_wait3A_247, %dma_wait3A_253] : memref<2x112xi32, #tpu.memory_space<vmem>> -> memref<1x112xi32, #tpu.memory_space<vmem>>
      %dma_wait3A_255 = tpu.memref_squeeze %dma_wait3A_254 : memref<1x112xi32, #tpu.memory_space<vmem>> -> memref<112xi32, #tpu.memory_space<vmem>>
      %dma_wait3A_256 = arith.constant 0 : i32
      %dma_wait3A_257 = tpu.memref_slice %arg3[%dma_wait3A_256] : memref<320000xi32, #tpu.memory_space<hbm>> -> memref<112xi32, #tpu.memory_space<hbm>>
      tpu.wait_dma2 semaphore(%arg17 : memref<!tpu.dma_semaphore, #tpu.memory_space<semaphore_mem>>) src(%dma_wait3A_257 : memref<112xi32, #tpu.memory_space<hbm>>) dst(%dma_wait3A_255 : memref<112xi32, #tpu.memory_space<vmem>>)
      %dma_wait3A_258 = arith.constant 1 : i32
      %dma_wait3A_259 = arith.constant 0 : i32
      %dma_wait3A_260 = tpu.memref_slice %arg11[%dma_wait3A_258, %dma_wait3A_259] : memref<2x112xi32, #tpu.memory_space<vmem>> -> memref<1x112xi32, #tpu.memory_space<vmem>>
      %dma_wait3A_261 = tpu.memref_squeeze %dma_wait3A_260 : memref<1x112xi32, #tpu.memory_space<vmem>> -> memref<112xi32, #tpu.memory_space<vmem>>
      %dma_wait3A_262 = arith.constant 0 : i32
      %dma_wait3A_263 = tpu.memref_slice %arg4[%dma_wait3A_262] : memref<320000xi32, #tpu.memory_space<hbm>> -> memref<112xi32, #tpu.memory_space<hbm>>
      %dma_wait3A_264 = arith.constant 0 : i32
      %dma_wait3A_265 = tpu.memref_slice %arg11[%dma_wait3A_258, %dma_wait3A_264] : memref<2x112xi32, #tpu.memory_space<vmem>> -> memref<1x112xi32, #tpu.memory_space<vmem>>
      %dma_wait3A_266 = tpu.memref_squeeze %dma_wait3A_265 : memref<1x112xi32, #tpu.memory_space<vmem>> -> memref<112xi32, #tpu.memory_space<vmem>>
      %dma_wait3A_267 = arith.constant 0 : i32
      %dma_wait3A_268 = tpu.memref_slice %arg4[%dma_wait3A_267] : memref<320000xi32, #tpu.memory_space<hbm>> -> memref<112xi32, #tpu.memory_space<hbm>>
      tpu.wait_dma2 semaphore(%arg17 : memref<!tpu.dma_semaphore, #tpu.memory_space<semaphore_mem>>) src(%dma_wait3A_268 : memref<112xi32, #tpu.memory_space<hbm>>) dst(%dma_wait3A_266 : memref<112xi32, #tpu.memory_space<vmem>>)
      %dma_start3A_269 = arith.constant 0 : i32
      %dma_start3A_270 = arith.constant 0 : i32
      %dma_start3A_271 = tpu.memref_slice %arg11[%dma_start3A_269, %dma_start3A_270] : memref<2x112xi32, #tpu.memory_space<vmem>> -> memref<1x112xi32, #tpu.memory_space<vmem>>
      %dma_start3A_272 = tpu.memref_squeeze %dma_start3A_271 : memref<1x112xi32, #tpu.memory_space<vmem>> -> memref<112xi32, #tpu.memory_space<vmem>>
      %dma_start3A_273 = arith.constant 0 : i32
      %dma_start3A_274 = arith.constant 0 : i32
      %dma_start3A_275 = tpu.memref_slice %arg2[%dma_start3A_273, %dma_start3A_274] : memref<10000x128xf32, #tpu.memory_space<hbm>> -> memref<10000x128xf32, #tpu.memory_space<hbm>>
      tpu.enqueue_indirect_dma source(%dma_start3A_275 : memref<10000x128xf32, #tpu.memory_space<hbm>>) target(%arg14 : memref<112x128xf32, #tpu.memory_space<vmem>>) offsets(%dma_start3A_272 : memref<112xi32, #tpu.memory_space<vmem>>) semaphore(%arg20 : memref<!tpu.dma_semaphore, #tpu.memory_space<semaphore_mem>>)
      %dma_wait3A_276 = arith.constant 0 : i32
      %dma_wait3A_277 = arith.constant 0 : i32
      %dma_wait3A_278 = tpu.memref_slice %arg10[%dma_wait3A_276, %dma_wait3A_277] : memref<2x112xi32, #tpu.memory_space<vmem>> -> memref<1x112xi32, #tpu.memory_space<vmem>>
      %dma_wait3A_279 = tpu.memref_squeeze %dma_wait3A_278 : memref<1x112xi32, #tpu.memory_space<vmem>> -> memref<112xi32, #tpu.memory_space<vmem>>
      %dma_wait3A_280 = arith.constant 0 : i32
      %dma_wait3A_281 = arith.constant 0 : i32
      %dma_wait3A_282 = tpu.memref_slice %arg2[%dma_wait3A_280, %dma_wait3A_281] : memref<10000x128xf32, #tpu.memory_space<hbm>> -> memref<10000x128xf32, #tpu.memory_space<hbm>>
      tpu.wait_indirect_dma semaphore(%arg19 : memref<!tpu.dma_semaphore, #tpu.memory_space<semaphore_mem>>) src(%dma_wait3A_282 : memref<10000x128xf32, #tpu.memory_space<hbm>>) dst(%arg13 : memref<112x128xf32, #tpu.memory_space<vmem>>)
      %dma_start3A_283 = arith.constant 1 : i32
      %dma_start3A_284 = arith.constant 0 : i32
      %dma_start3A_285 = tpu.memref_slice %arg10[%dma_start3A_283, %dma_start3A_284] : memref<2x112xi32, #tpu.memory_space<vmem>> -> memref<1x112xi32, #tpu.memory_space<vmem>>
      %dma_start3A_286 = tpu.memref_squeeze %dma_start3A_285 : memref<1x112xi32, #tpu.memory_space<vmem>> -> memref<112xi32, #tpu.memory_space<vmem>>
      %dma_start3A_287 = arith.constant 0 : i32
      %dma_start3A_288 = arith.constant 0 : i32
      %dma_start3A_289 = tpu.memref_slice %arg8[%dma_start3A_287, %dma_start3A_288] : memref<10240x128xf32, #tpu.memory_space<vmem_shared>> -> memref<10240x128xf32, #tpu.memory_space<vmem_shared>>
      tpu.enqueue_indirect_dma source(%arg13 : memref<112x128xf32, #tpu.memory_space<vmem>>) target(%dma_start3A_289 : memref<10240x128xf32, #tpu.memory_space<vmem_shared>>) offsets(%dma_start3A_286 : memref<112xi32, #tpu.memory_space<vmem>>) semaphore(%arg22 : memref<!tpu.dma_semaphore, #tpu.memory_space<semaphore_mem>>) {add = true}
      %dma_wait3A_290 = arith.constant 1 : i32
      %dma_wait3A_291 = arith.constant 0 : i32
      %dma_wait3A_292 = tpu.memref_slice %arg10[%dma_wait3A_290, %dma_wait3A_291] : memref<2x112xi32, #tpu.memory_space<vmem>> -> memref<1x112xi32, #tpu.memory_space<vmem>>
      %dma_wait3A_293 = tpu.memref_squeeze %dma_wait3A_292 : memref<1x112xi32, #tpu.memory_space<vmem>> -> memref<112xi32, #tpu.memory_space<vmem>>
      %dma_wait3A_294 = arith.constant 0 : i32
      %dma_wait3A_295 = arith.constant 0 : i32
      %dma_wait3A_296 = tpu.memref_slice %arg8[%dma_wait3A_294, %dma_wait3A_295] : memref<10240x128xf32, #tpu.memory_space<vmem_shared>> -> memref<10240x128xf32, #tpu.memory_space<vmem_shared>>
      tpu.wait_indirect_dma semaphore(%arg22 : memref<!tpu.dma_semaphore, #tpu.memory_space<semaphore_mem>>) src(%arg13 : memref<112x128xf32, #tpu.memory_space<vmem>>) dst(%dma_wait3A_296 : memref<10240x128xf32, #tpu.memory_space<vmem_shared>>)
      %add3A_297 = arith.constant 1 : i32
      %add3A_298 = arith.addi %mul3A_231, %add3A_297 : i32
      %lt3A_299 = arith.constant 89 : i32
      %lt3A_300 = arith.cmpi slt, %add3A_298, %lt3A_299 : i32
      %convert_element_type3A_301 = arith.extui %lt3A_300 : i1 to i32
      %cond3A_302 = arith.constant 0 : i32
      %cond3A_303 = arith.cmpi ne, %convert_element_type3A_301, %cond3A_302 : i32
      scf.if %cond3A_303 {
        %mul3A_414 = arith.constant 10000 : i32
        %mul3A_415 = arith.muli %add3A, %mul3A_414 : i32
        %mul3A_416 = arith.constant 112 : i32
        %mul3A_417 = arith.muli %add3A_298, %mul3A_416 : i32
        %add3A_418 = arith.addi %mul3A_415, %mul3A_417 : i32
        %dma_start3A_419 = arith.constant 0 : i32
        %dma_start3A_420 = arith.constant 0 : i32
        %dma_start3A_421 = tpu.memref_slice %arg10[%dma_start3A_419, %dma_start3A_420] : memref<2x112xi32, #tpu.memory_space<vmem>> -> memref<1x112xi32, #tpu.memory_space<vmem>>
        %dma_start3A_422 = tpu.memref_squeeze %dma_start3A_421 : memref<1x112xi32, #tpu.memory_space<vmem>> -> memref<112xi32, #tpu.memory_space<vmem>>
        %dma_start3A_423 = tpu.memref_slice %arg3[%add3A_418] : memref<320000xi32, #tpu.memory_space<hbm>> -> memref<112xi32, #tpu.memory_space<hbm>>
        %dma_start3A_424 = arith.constant 0 : i32
        %dma_start3A_425 = tpu.memref_slice %arg10[%dma_start3A_419, %dma_start3A_424] : memref<2x112xi32, #tpu.memory_space<vmem>> -> memref<1x112xi32, #tpu.memory_space<vmem>>
        %dma_start3A_426 = tpu.memref_squeeze %dma_start3A_425 : memref<1x112xi32, #tpu.memory_space<vmem>> -> memref<112xi32, #tpu.memory_space<vmem>>
        %dma_start3A_427 = tpu.memref_slice %arg3[%add3A_418] : memref<320000xi32, #tpu.memory_space<hbm>> -> memref<112xi32, #tpu.memory_space<hbm>>
        tpu.enqueue_dma source(%dma_start3A_427 : memref<112xi32, #tpu.memory_space<hbm>>) target(%dma_start3A_426 : memref<112xi32, #tpu.memory_space<vmem>>) target_semaphore(%arg16 : memref<!tpu.dma_semaphore, #tpu.memory_space<semaphore_mem>>)
        %dma_start3A_428 = arith.constant 1 : i32
        %dma_start3A_429 = arith.constant 0 : i32
        %dma_start3A_430 = tpu.memref_slice %arg10[%dma_start3A_428, %dma_start3A_429] : memref<2x112xi32, #tpu.memory_space<vmem>> -> memref<1x112xi32, #tpu.memory_space<vmem>>
        %dma_start3A_431 = tpu.memref_squeeze %dma_start3A_430 : memref<1x112xi32, #tpu.memory_space<vmem>> -> memref<112xi32, #tpu.memory_space<vmem>>
        %dma_start3A_432 = tpu.memref_slice %arg4[%add3A_418] : memref<320000xi32, #tpu.memory_space<hbm>> -> memref<112xi32, #tpu.memory_space<hbm>>
        %dma_start3A_433 = arith.constant 0 : i32
        %dma_start3A_434 = tpu.memref_slice %arg10[%dma_start3A_428, %dma_start3A_433] : memref<2x112xi32, #tpu.memory_space<vmem>> -> memref<1x112xi32, #tpu.memory_space<vmem>>
        %dma_start3A_435 = tpu.memref_squeeze %dma_start3A_434 : memref<1x112xi32, #tpu.memory_space<vmem>> -> memref<112xi32, #tpu.memory_space<vmem>>
        %dma_start3A_436 = tpu.memref_slice %arg4[%add3A_418] : memref<320000xi32, #tpu.memory_space<hbm>> -> memref<112xi32, #tpu.memory_space<hbm>>
        tpu.enqueue_dma source(%dma_start3A_436 : memref<112xi32, #tpu.memory_space<hbm>>) target(%dma_start3A_435 : memref<112xi32, #tpu.memory_space<vmem>>) target_semaphore(%arg16 : memref<!tpu.dma_semaphore, #tpu.memory_space<semaphore_mem>>)
      } else {
      }
      %ge3A_304 = arith.constant 89 : i32
      %ge3A_305 = arith.cmpi sge, %add3A_298, %ge3A_304 : i32
      %convert_element_type3A_306 = arith.extui %ge3A_305 : i1 to i32
      %cond3A_307 = arith.constant 0 : i32
      %cond3A_308 = arith.cmpi ne, %convert_element_type3A_306, %cond3A_307 : i32
      scf.if %cond3A_308 {
        %dma_start3A_414 = arith.constant 0 : i32
        %dma_start3A_415 = arith.constant 0 : i32
        %dma_start3A_416 = arith.constant 0 : i32
        %dma_start3A_417 = tpu.memref_slice %arg10[%dma_start3A_415, %dma_start3A_416] : memref<2x112xi32, #tpu.memory_space<vmem>> -> memref<1x112xi32, #tpu.memory_space<vmem>>
        %dma_start3A_418 = tpu.memref_squeeze %dma_start3A_417 : memref<1x112xi32, #tpu.memory_space<vmem>> -> memref<112xi32, #tpu.memory_space<vmem>>
        %dma_start3A_419 = arith.constant 0 : i32
        %dma_start3A_420 = tpu.memref_slice %arg5[%add3A, %dma_start3A_414, %dma_start3A_419] : memref<32x2x112xi32, #tpu.memory_space<hbm>> -> memref<1x1x112xi32, #tpu.memory_space<hbm>>
        %dma_start3A_421 = tpu.memref_squeeze %dma_start3A_420 : memref<1x1x112xi32, #tpu.memory_space<hbm>> -> memref<112xi32, #tpu.memory_space<hbm>>
        %dma_start3A_422 = arith.constant 0 : i32
        %dma_start3A_423 = tpu.memref_slice %arg10[%dma_start3A_415, %dma_start3A_422] : memref<2x112xi32, #tpu.memory_space<vmem>> -> memref<1x112xi32, #tpu.memory_space<vmem>>
        %dma_start3A_424 = tpu.memref_squeeze %dma_start3A_423 : memref<1x112xi32, #tpu.memory_space<vmem>> -> memref<112xi32, #tpu.memory_space<vmem>>
        %dma_start3A_425 = arith.constant 0 : i32
        %dma_start3A_426 = tpu.memref_slice %arg5[%add3A, %dma_start3A_414, %dma_start3A_425] : memref<32x2x112xi32, #tpu.memory_space<hbm>> -> memref<1x1x112xi32, #tpu.memory_space<hbm>>
        %dma_start3A_427 = tpu.memref_squeeze %dma_start3A_426 : memref<1x1x112xi32, #tpu.memory_space<hbm>> -> memref<112xi32, #tpu.memory_space<hbm>>
        tpu.enqueue_dma source(%dma_start3A_427 : memref<112xi32, #tpu.memory_space<hbm>>) target(%dma_start3A_424 : memref<112xi32, #tpu.memory_space<vmem>>) target_semaphore(%arg16 : memref<!tpu.dma_semaphore, #tpu.memory_space<semaphore_mem>>)
        %dma_start3A_428 = arith.constant 1 : i32
        %dma_start3A_429 = arith.constant 1 : i32
        %dma_start3A_430 = arith.constant 0 : i32
        %dma_start3A_431 = tpu.memref_slice %arg10[%dma_start3A_429, %dma_start3A_430] : memref<2x112xi32, #tpu.memory_space<vmem>> -> memref<1x112xi32, #tpu.memory_space<vmem>>
        %dma_start3A_432 = tpu.memref_squeeze %dma_start3A_431 : memref<1x112xi32, #tpu.memory_space<vmem>> -> memref<112xi32, #tpu.memory_space<vmem>>
        %dma_start3A_433 = arith.constant 0 : i32
        %dma_start3A_434 = tpu.memref_slice %arg5[%add3A, %dma_start3A_428, %dma_start3A_433] : memref<32x2x112xi32, #tpu.memory_space<hbm>> -> memref<1x1x112xi32, #tpu.memory_space<hbm>>
        %dma_start3A_435 = tpu.memref_squeeze %dma_start3A_434 : memref<1x1x112xi32, #tpu.memory_space<hbm>> -> memref<112xi32, #tpu.memory_space<hbm>>
        %dma_start3A_436 = arith.constant 0 : i32
        %dma_start3A_437 = tpu.memref_slice %arg10[%dma_start3A_429, %dma_start3A_436] : memref<2x112xi32, #tpu.memory_space<vmem>> -> memref<1x112xi32, #tpu.memory_space<vmem>>
        %dma_start3A_438 = tpu.memref_squeeze %dma_start3A_437 : memref<1x112xi32, #tpu.memory_space<vmem>> -> memref<112xi32, #tpu.memory_space<vmem>>
        %dma_start3A_439 = arith.constant 0 : i32
        %dma_start3A_440 = tpu.memref_slice %arg5[%add3A, %dma_start3A_428, %dma_start3A_439] : memref<32x2x112xi32, #tpu.memory_space<hbm>> -> memref<1x1x112xi32, #tpu.memory_space<hbm>>
        %dma_start3A_441 = tpu.memref_squeeze %dma_start3A_440 : memref<1x1x112xi32, #tpu.memory_space<hbm>> -> memref<112xi32, #tpu.memory_space<hbm>>
        tpu.enqueue_dma source(%dma_start3A_441 : memref<112xi32, #tpu.memory_space<hbm>>) target(%dma_start3A_438 : memref<112xi32, #tpu.memory_space<vmem>>) target_semaphore(%arg16 : memref<!tpu.dma_semaphore, #tpu.memory_space<semaphore_mem>>)
      } else {
      }
      %dma_wait3A_309 = arith.constant 0 : i32
      %dma_wait3A_310 = arith.constant 0 : i32
      %dma_wait3A_311 = tpu.memref_slice %arg9[%dma_wait3A_309, %dma_wait3A_310] : memref<2x112xi32, #tpu.memory_space<vmem>> -> memref<1x112xi32, #tpu.memory_space<vmem>>
      %dma_wait3A_312 = tpu.memref_squeeze %dma_wait3A_311 : memref<1x112xi32, #tpu.memory_space<vmem>> -> memref<112xi32, #tpu.memory_space<vmem>>
      %dma_wait3A_313 = arith.constant 0 : i32
      %dma_wait3A_314 = tpu.memref_slice %arg3[%dma_wait3A_313] : memref<320000xi32, #tpu.memory_space<hbm>> -> memref<112xi32, #tpu.memory_space<hbm>>
      %dma_wait3A_315 = arith.constant 0 : i32
      %dma_wait3A_316 = tpu.memref_slice %arg9[%dma_wait3A_309, %dma_wait3A_315] : memref<2x112xi32, #tpu.memory_space<vmem>> -> memref<1x112xi32, #tpu.memory_space<vmem>>
      %dma_wait3A_317 = tpu.memref_squeeze %dma_wait3A_316 : memref<1x112xi32, #tpu.memory_space<vmem>> -> memref<112xi32, #tpu.memory_space<vmem>>
      %dma_wait3A_318 = arith.constant 0 : i32
      %dma_wait3A_319 = tpu.memref_slice %arg3[%dma_wait3A_318] : memref<320000xi32, #tpu.memory_space<hbm>> -> memref<112xi32, #tpu.memory_space<hbm>>
      tpu.wait_dma2 semaphore(%arg15 : memref<!tpu.dma_semaphore, #tpu.memory_space<semaphore_mem>>) src(%dma_wait3A_319 : memref<112xi32, #tpu.memory_space<hbm>>) dst(%dma_wait3A_317 : memref<112xi32, #tpu.memory_space<vmem>>)
      %dma_wait3A_320 = arith.constant 1 : i32
      %dma_wait3A_321 = arith.constant 0 : i32
      %dma_wait3A_322 = tpu.memref_slice %arg9[%dma_wait3A_320, %dma_wait3A_321] : memref<2x112xi32, #tpu.memory_space<vmem>> -> memref<1x112xi32, #tpu.memory_space<vmem>>
      %dma_wait3A_323 = tpu.memref_squeeze %dma_wait3A_322 : memref<1x112xi32, #tpu.memory_space<vmem>> -> memref<112xi32, #tpu.memory_space<vmem>>
      %dma_wait3A_324 = arith.constant 0 : i32
      %dma_wait3A_325 = tpu.memref_slice %arg4[%dma_wait3A_324] : memref<320000xi32, #tpu.memory_space<hbm>> -> memref<112xi32, #tpu.memory_space<hbm>>
      %dma_wait3A_326 = arith.constant 0 : i32
      %dma_wait3A_327 = tpu.memref_slice %arg9[%dma_wait3A_320, %dma_wait3A_326] : memref<2x112xi32, #tpu.memory_space<vmem>> -> memref<1x112xi32, #tpu.memory_space<vmem>>
      %dma_wait3A_328 = tpu.memref_squeeze %dma_wait3A_327 : memref<1x112xi32, #tpu.memory_space<vmem>> -> memref<112xi32, #tpu.memory_space<vmem>>
      %dma_wait3A_329 = arith.constant 0 : i32
      %dma_wait3A_330 = tpu.memref_slice %arg4[%dma_wait3A_329] : memref<320000xi32, #tpu.memory_space<hbm>> -> memref<112xi32, #tpu.memory_space<hbm>>
      tpu.wait_dma2 semaphore(%arg15 : memref<!tpu.dma_semaphore, #tpu.memory_space<semaphore_mem>>) src(%dma_wait3A_330 : memref<112xi32, #tpu.memory_space<hbm>>) dst(%dma_wait3A_328 : memref<112xi32, #tpu.memory_space<vmem>>)
      %dma_start3A_331 = arith.constant 0 : i32
      %dma_start3A_332 = arith.constant 0 : i32
      %dma_start3A_333 = tpu.memref_slice %arg9[%dma_start3A_331, %dma_start3A_332] : memref<2x112xi32, #tpu.memory_space<vmem>> -> memref<1x112xi32, #tpu.memory_space<vmem>>
      %dma_start3A_334 = tpu.memref_squeeze %dma_start3A_333 : memref<1x112xi32, #tpu.memory_space<vmem>> -> memref<112xi32, #tpu.memory_space<vmem>>
      %dma_start3A_335 = arith.constant 0 : i32
      %dma_start3A_336 = arith.constant 0 : i32
      %dma_start3A_337 = tpu.memref_slice %arg2[%dma_start3A_335, %dma_start3A_336] : memref<10000x128xf32, #tpu.memory_space<hbm>> -> memref<10000x128xf32, #tpu.memory_space<hbm>>
      tpu.enqueue_indirect_dma source(%dma_start3A_337 : memref<10000x128xf32, #tpu.memory_space<hbm>>) target(%arg12 : memref<112x128xf32, #tpu.memory_space<vmem>>) offsets(%dma_start3A_334 : memref<112xi32, #tpu.memory_space<vmem>>) semaphore(%arg18 : memref<!tpu.dma_semaphore, #tpu.memory_space<semaphore_mem>>)
      %dma_wait3A_338 = arith.constant 0 : i32
      %dma_wait3A_339 = arith.constant 0 : i32
      %dma_wait3A_340 = tpu.memref_slice %arg11[%dma_wait3A_338, %dma_wait3A_339] : memref<2x112xi32, #tpu.memory_space<vmem>> -> memref<1x112xi32, #tpu.memory_space<vmem>>
      %dma_wait3A_341 = tpu.memref_squeeze %dma_wait3A_340 : memref<1x112xi32, #tpu.memory_space<vmem>> -> memref<112xi32, #tpu.memory_space<vmem>>
      %dma_wait3A_342 = arith.constant 0 : i32
      %dma_wait3A_343 = arith.constant 0 : i32
      %dma_wait3A_344 = tpu.memref_slice %arg2[%dma_wait3A_342, %dma_wait3A_343] : memref<10000x128xf32, #tpu.memory_space<hbm>> -> memref<10000x128xf32, #tpu.memory_space<hbm>>
      tpu.wait_indirect_dma semaphore(%arg20 : memref<!tpu.dma_semaphore, #tpu.memory_space<semaphore_mem>>) src(%dma_wait3A_344 : memref<10000x128xf32, #tpu.memory_space<hbm>>) dst(%arg14 : memref<112x128xf32, #tpu.memory_space<vmem>>)
      %dma_start3A_345 = arith.constant 1 : i32
      %dma_start3A_346 = arith.constant 0 : i32
      %dma_start3A_347 = tpu.memref_slice %arg11[%dma_start3A_345, %dma_start3A_346] : memref<2x112xi32, #tpu.memory_space<vmem>> -> memref<1x112xi32, #tpu.memory_space<vmem>>
      %dma_start3A_348 = tpu.memref_squeeze %dma_start3A_347 : memref<1x112xi32, #tpu.memory_space<vmem>> -> memref<112xi32, #tpu.memory_space<vmem>>
      %dma_start3A_349 = arith.constant 0 : i32
      %dma_start3A_350 = arith.constant 0 : i32
      %dma_start3A_351 = tpu.memref_slice %arg8[%dma_start3A_349, %dma_start3A_350] : memref<10240x128xf32, #tpu.memory_space<vmem_shared>> -> memref<10240x128xf32, #tpu.memory_space<vmem_shared>>
      tpu.enqueue_indirect_dma source(%arg14 : memref<112x128xf32, #tpu.memory_space<vmem>>) target(%dma_start3A_351 : memref<10240x128xf32, #tpu.memory_space<vmem_shared>>) offsets(%dma_start3A_348 : memref<112xi32, #tpu.memory_space<vmem>>) semaphore(%arg23 : memref<!tpu.dma_semaphore, #tpu.memory_space<semaphore_mem>>) {add = true}
      %dma_wait3A_352 = arith.constant 1 : i32
      %dma_wait3A_353 = arith.constant 0 : i32
      %dma_wait3A_354 = tpu.memref_slice %arg11[%dma_wait3A_352, %dma_wait3A_353] : memref<2x112xi32, #tpu.memory_space<vmem>> -> memref<1x112xi32, #tpu.memory_space<vmem>>
      %dma_wait3A_355 = tpu.memref_squeeze %dma_wait3A_354 : memref<1x112xi32, #tpu.memory_space<vmem>> -> memref<112xi32, #tpu.memory_space<vmem>>
      %dma_wait3A_356 = arith.constant 0 : i32
      %dma_wait3A_357 = arith.constant 0 : i32
      %dma_wait3A_358 = tpu.memref_slice %arg8[%dma_wait3A_356, %dma_wait3A_357] : memref<10240x128xf32, #tpu.memory_space<vmem_shared>> -> memref<10240x128xf32, #tpu.memory_space<vmem_shared>>
      tpu.wait_indirect_dma semaphore(%arg23 : memref<!tpu.dma_semaphore, #tpu.memory_space<semaphore_mem>>) src(%arg14 : memref<112x128xf32, #tpu.memory_space<vmem>>) dst(%dma_wait3A_358 : memref<10240x128xf32, #tpu.memory_space<vmem_shared>>)
      %add3A_359 = arith.constant 2 : i32
      %add3A_360 = arith.addi %mul3A_231, %add3A_359 : i32
      %lt3A_361 = arith.constant 89 : i32
      %lt3A_362 = arith.cmpi slt, %add3A_360, %lt3A_361 : i32
      %convert_element_type3A_363 = arith.extui %lt3A_362 : i1 to i32
      %cond3A_364 = arith.constant 0 : i32
      %cond3A_365 = arith.cmpi ne, %convert_element_type3A_363, %cond3A_364 : i32
      scf.if %cond3A_365 {
        %mul3A_414 = arith.constant 10000 : i32
        %mul3A_415 = arith.muli %add3A, %mul3A_414 : i32
        %mul3A_416 = arith.constant 112 : i32
        %mul3A_417 = arith.muli %add3A_360, %mul3A_416 : i32
        %add3A_418 = arith.addi %mul3A_415, %mul3A_417 : i32
        %dma_start3A_419 = arith.constant 0 : i32
        %dma_start3A_420 = arith.constant 0 : i32
        %dma_start3A_421 = tpu.memref_slice %arg11[%dma_start3A_419, %dma_start3A_420] : memref<2x112xi32, #tpu.memory_space<vmem>> -> memref<1x112xi32, #tpu.memory_space<vmem>>
        %dma_start3A_422 = tpu.memref_squeeze %dma_start3A_421 : memref<1x112xi32, #tpu.memory_space<vmem>> -> memref<112xi32, #tpu.memory_space<vmem>>
        %dma_start3A_423 = tpu.memref_slice %arg3[%add3A_418] : memref<320000xi32, #tpu.memory_space<hbm>> -> memref<112xi32, #tpu.memory_space<hbm>>
        %dma_start3A_424 = arith.constant 0 : i32
        %dma_start3A_425 = tpu.memref_slice %arg11[%dma_start3A_419, %dma_start3A_424] : memref<2x112xi32, #tpu.memory_space<vmem>> -> memref<1x112xi32, #tpu.memory_space<vmem>>
        %dma_start3A_426 = tpu.memref_squeeze %dma_start3A_425 : memref<1x112xi32, #tpu.memory_space<vmem>> -> memref<112xi32, #tpu.memory_space<vmem>>
        %dma_start3A_427 = tpu.memref_slice %arg3[%add3A_418] : memref<320000xi32, #tpu.memory_space<hbm>> -> memref<112xi32, #tpu.memory_space<hbm>>
        tpu.enqueue_dma source(%dma_start3A_427 : memref<112xi32, #tpu.memory_space<hbm>>) target(%dma_start3A_426 : memref<112xi32, #tpu.memory_space<vmem>>) target_semaphore(%arg17 : memref<!tpu.dma_semaphore, #tpu.memory_space<semaphore_mem>>)
        %dma_start3A_428 = arith.constant 1 : i32
        %dma_start3A_429 = arith.constant 0 : i32
        %dma_start3A_430 = tpu.memref_slice %arg11[%dma_start3A_428, %dma_start3A_429] : memref<2x112xi32, #tpu.memory_space<vmem>> -> memref<1x112xi32, #tpu.memory_space<vmem>>
        %dma_start3A_431 = tpu.memref_squeeze %dma_start3A_430 : memref<1x112xi32, #tpu.memory_space<vmem>> -> memref<112xi32, #tpu.memory_space<vmem>>
        %dma_start3A_432 = tpu.memref_slice %arg4[%add3A_418] : memref<320000xi32, #tpu.memory_space<hbm>> -> memref<112xi32, #tpu.memory_space<hbm>>
        %dma_start3A_433 = arith.constant 0 : i32
        %dma_start3A_434 = tpu.memref_slice %arg11[%dma_start3A_428, %dma_start3A_433] : memref<2x112xi32, #tpu.memory_space<vmem>> -> memref<1x112xi32, #tpu.memory_space<vmem>>
        %dma_start3A_435 = tpu.memref_squeeze %dma_start3A_434 : memref<1x112xi32, #tpu.memory_space<vmem>> -> memref<112xi32, #tpu.memory_space<vmem>>
        %dma_start3A_436 = tpu.memref_slice %arg4[%add3A_418] : memref<320000xi32, #tpu.memory_space<hbm>> -> memref<112xi32, #tpu.memory_space<hbm>>
        tpu.enqueue_dma source(%dma_start3A_436 : memref<112xi32, #tpu.memory_space<hbm>>) target(%dma_start3A_435 : memref<112xi32, #tpu.memory_space<vmem>>) target_semaphore(%arg17 : memref<!tpu.dma_semaphore, #tpu.memory_space<semaphore_mem>>)
      } else {
      }
      %ge3A_366 = arith.constant 89 : i32
      %ge3A_367 = arith.cmpi sge, %add3A_360, %ge3A_366 : i32
      %convert_element_type3A_368 = arith.extui %ge3A_367 : i1 to i32
      %cond3A_369 = arith.constant 0 : i32
      %cond3A_370 = arith.cmpi ne, %convert_element_type3A_368, %cond3A_369 : i32
      scf.if %cond3A_370 {
        %dma_start3A_414 = arith.constant 0 : i32
        %dma_start3A_415 = arith.constant 0 : i32
        %dma_start3A_416 = arith.constant 0 : i32
        %dma_start3A_417 = tpu.memref_slice %arg11[%dma_start3A_415, %dma_start3A_416] : memref<2x112xi32, #tpu.memory_space<vmem>> -> memref<1x112xi32, #tpu.memory_space<vmem>>
        %dma_start3A_418 = tpu.memref_squeeze %dma_start3A_417 : memref<1x112xi32, #tpu.memory_space<vmem>> -> memref<112xi32, #tpu.memory_space<vmem>>
        %dma_start3A_419 = arith.constant 0 : i32
        %dma_start3A_420 = tpu.memref_slice %arg5[%add3A, %dma_start3A_414, %dma_start3A_419] : memref<32x2x112xi32, #tpu.memory_space<hbm>> -> memref<1x1x112xi32, #tpu.memory_space<hbm>>
        %dma_start3A_421 = tpu.memref_squeeze %dma_start3A_420 : memref<1x1x112xi32, #tpu.memory_space<hbm>> -> memref<112xi32, #tpu.memory_space<hbm>>
        %dma_start3A_422 = arith.constant 0 : i32
        %dma_start3A_423 = tpu.memref_slice %arg11[%dma_start3A_415, %dma_start3A_422] : memref<2x112xi32, #tpu.memory_space<vmem>> -> memref<1x112xi32, #tpu.memory_space<vmem>>
        %dma_start3A_424 = tpu.memref_squeeze %dma_start3A_423 : memref<1x112xi32, #tpu.memory_space<vmem>> -> memref<112xi32, #tpu.memory_space<vmem>>
        %dma_start3A_425 = arith.constant 0 : i32
        %dma_start3A_426 = tpu.memref_slice %arg5[%add3A, %dma_start3A_414, %dma_start3A_425] : memref<32x2x112xi32, #tpu.memory_space<hbm>> -> memref<1x1x112xi32, #tpu.memory_space<hbm>>
        %dma_start3A_427 = tpu.memref_squeeze %dma_start3A_426 : memref<1x1x112xi32, #tpu.memory_space<hbm>> -> memref<112xi32, #tpu.memory_space<hbm>>
        tpu.enqueue_dma source(%dma_start3A_427 : memref<112xi32, #tpu.memory_space<hbm>>) target(%dma_start3A_424 : memref<112xi32, #tpu.memory_space<vmem>>) target_semaphore(%arg17 : memref<!tpu.dma_semaphore, #tpu.memory_space<semaphore_mem>>)
        %dma_start3A_428 = arith.constant 1 : i32
        %dma_start3A_429 = arith.constant 1 : i32
        %dma_start3A_430 = arith.constant 0 : i32
        %dma_start3A_431 = tpu.memref_slice %arg11[%dma_start3A_429, %dma_start3A_430] : memref<2x112xi32, #tpu.memory_space<vmem>> -> memref<1x112xi32, #tpu.memory_space<vmem>>
        %dma_start3A_432 = tpu.memref_squeeze %dma_start3A_431 : memref<1x112xi32, #tpu.memory_space<vmem>> -> memref<112xi32, #tpu.memory_space<vmem>>
        %dma_start3A_433 = arith.constant 0 : i32
        %dma_start3A_434 = tpu.memref_slice %arg5[%add3A, %dma_start3A_428, %dma_start3A_433] : memref<32x2x112xi32, #tpu.memory_space<hbm>> -> memref<1x1x112xi32, #tpu.memory_space<hbm>>
        %dma_start3A_435 = tpu.memref_squeeze %dma_start3A_434 : memref<1x1x112xi32, #tpu.memory_space<hbm>> -> memref<112xi32, #tpu.memory_space<hbm>>
        %dma_start3A_436 = arith.constant 0 : i32
        %dma_start3A_437 = tpu.memref_slice %arg11[%dma_start3A_429, %dma_start3A_436] : memref<2x112xi32, #tpu.memory_space<vmem>> -> memref<1x112xi32, #tpu.memory_space<vmem>>
        %dma_start3A_438 = tpu.memref_squeeze %dma_start3A_437 : memref<1x112xi32, #tpu.memory_space<vmem>> -> memref<112xi32, #tpu.memory_space<vmem>>
        %dma_start3A_439 = arith.constant 0 : i32
        %dma_start3A_440 = tpu.memref_slice %arg5[%add3A, %dma_start3A_428, %dma_start3A_439] : memref<32x2x112xi32, #tpu.memory_space<hbm>> -> memref<1x1x112xi32, #tpu.memory_space<hbm>>
        %dma_start3A_441 = tpu.memref_squeeze %dma_start3A_440 : memref<1x1x112xi32, #tpu.memory_space<hbm>> -> memref<112xi32, #tpu.memory_space<hbm>>
        tpu.enqueue_dma source(%dma_start3A_441 : memref<112xi32, #tpu.memory_space<hbm>>) target(%dma_start3A_438 : memref<112xi32, #tpu.memory_space<vmem>>) target_semaphore(%arg17 : memref<!tpu.dma_semaphore, #tpu.memory_space<semaphore_mem>>)
      } else {
      }
      %dma_wait3A_371 = arith.constant 0 : i32
      %dma_wait3A_372 = arith.constant 0 : i32
      %dma_wait3A_373 = tpu.memref_slice %arg10[%dma_wait3A_371, %dma_wait3A_372] : memref<2x112xi32, #tpu.memory_space<vmem>> -> memref<1x112xi32, #tpu.memory_space<vmem>>
      %dma_wait3A_374 = tpu.memref_squeeze %dma_wait3A_373 : memref<1x112xi32, #tpu.memory_space<vmem>> -> memref<112xi32, #tpu.memory_space<vmem>>
      %dma_wait3A_375 = arith.constant 0 : i32
      %dma_wait3A_376 = tpu.memref_slice %arg3[%dma_wait3A_375] : memref<320000xi32, #tpu.memory_space<hbm>> -> memref<112xi32, #tpu.memory_space<hbm>>
      %dma_wait3A_377 = arith.constant 0 : i32
      %dma_wait3A_378 = tpu.memref_slice %arg10[%dma_wait3A_371, %dma_wait3A_377] : memref<2x112xi32, #tpu.memory_space<vmem>> -> memref<1x112xi32, #tpu.memory_space<vmem>>
      %dma_wait3A_379 = tpu.memref_squeeze %dma_wait3A_378 : memref<1x112xi32, #tpu.memory_space<vmem>> -> memref<112xi32, #tpu.memory_space<vmem>>
      %dma_wait3A_380 = arith.constant 0 : i32
      %dma_wait3A_381 = tpu.memref_slice %arg3[%dma_wait3A_380] : memref<320000xi32, #tpu.memory_space<hbm>> -> memref<112xi32, #tpu.memory_space<hbm>>
      tpu.wait_dma2 semaphore(%arg16 : memref<!tpu.dma_semaphore, #tpu.memory_space<semaphore_mem>>) src(%dma_wait3A_381 : memref<112xi32, #tpu.memory_space<hbm>>) dst(%dma_wait3A_379 : memref<112xi32, #tpu.memory_space<vmem>>)
      %dma_wait3A_382 = arith.constant 1 : i32
      %dma_wait3A_383 = arith.constant 0 : i32
      %dma_wait3A_384 = tpu.memref_slice %arg10[%dma_wait3A_382, %dma_wait3A_383] : memref<2x112xi32, #tpu.memory_space<vmem>> -> memref<1x112xi32, #tpu.memory_space<vmem>>
      %dma_wait3A_385 = tpu.memref_squeeze %dma_wait3A_384 : memref<1x112xi32, #tpu.memory_space<vmem>> -> memref<112xi32, #tpu.memory_space<vmem>>
      %dma_wait3A_386 = arith.constant 0 : i32
      %dma_wait3A_387 = tpu.memref_slice %arg4[%dma_wait3A_386] : memref<320000xi32, #tpu.memory_space<hbm>> -> memref<112xi32, #tpu.memory_space<hbm>>
      %dma_wait3A_388 = arith.constant 0 : i32
      %dma_wait3A_389 = tpu.memref_slice %arg10[%dma_wait3A_382, %dma_wait3A_388] : memref<2x112xi32, #tpu.memory_space<vmem>> -> memref<1x112xi32, #tpu.memory_space<vmem>>
      %dma_wait3A_390 = tpu.memref_squeeze %dma_wait3A_389 : memref<1x112xi32, #tpu.memory_space<vmem>> -> memref<112xi32, #tpu.memory_space<vmem>>
      %dma_wait3A_391 = arith.constant 0 : i32
      %dma_wait3A_392 = tpu.memref_slice %arg4[%dma_wait3A_391] : memref<320000xi32, #tpu.memory_space<hbm>> -> memref<112xi32, #tpu.memory_space<hbm>>
      tpu.wait_dma2 semaphore(%arg16 : memref<!tpu.dma_semaphore, #tpu.memory_space<semaphore_mem>>) src(%dma_wait3A_392 : memref<112xi32, #tpu.memory_space<hbm>>) dst(%dma_wait3A_390 : memref<112xi32, #tpu.memory_space<vmem>>)
      %dma_start3A_393 = arith.constant 0 : i32
      %dma_start3A_394 = arith.constant 0 : i32
      %dma_start3A_395 = tpu.memref_slice %arg10[%dma_start3A_393, %dma_start3A_394] : memref<2x112xi32, #tpu.memory_space<vmem>> -> memref<1x112xi32, #tpu.memory_space<vmem>>
      %dma_start3A_396 = tpu.memref_squeeze %dma_start3A_395 : memref<1x112xi32, #tpu.memory_space<vmem>> -> memref<112xi32, #tpu.memory_space<vmem>>
      %dma_start3A_397 = arith.constant 0 : i32
      %dma_start3A_398 = arith.constant 0 : i32
      %dma_start3A_399 = tpu.memref_slice %arg2[%dma_start3A_397, %dma_start3A_398] : memref<10000x128xf32, #tpu.memory_space<hbm>> -> memref<10000x128xf32, #tpu.memory_space<hbm>>
      tpu.enqueue_indirect_dma source(%dma_start3A_399 : memref<10000x128xf32, #tpu.memory_space<hbm>>) target(%arg13 : memref<112x128xf32, #tpu.memory_space<vmem>>) offsets(%dma_start3A_396 : memref<112xi32, #tpu.memory_space<vmem>>) semaphore(%arg19 : memref<!tpu.dma_semaphore, #tpu.memory_space<semaphore_mem>>)
      %dma_wait3A_400 = arith.constant 0 : i32
      %dma_wait3A_401 = arith.constant 0 : i32
      %dma_wait3A_402 = tpu.memref_slice %arg9[%dma_wait3A_400, %dma_wait3A_401] : memref<2x112xi32, #tpu.memory_space<vmem>> -> memref<1x112xi32, #tpu.memory_space<vmem>>
      %dma_wait3A_403 = tpu.memref_squeeze %dma_wait3A_402 : memref<1x112xi32, #tpu.memory_space<vmem>> -> memref<112xi32, #tpu.memory_space<vmem>>
      %dma_wait3A_404 = arith.constant 0 : i32
      %dma_wait3A_405 = arith.constant 0 : i32
      %dma_wait3A_406 = tpu.memref_slice %arg2[%dma_wait3A_404, %dma_wait3A_405] : memref<10000x128xf32, #tpu.memory_space<hbm>> -> memref<10000x128xf32, #tpu.memory_space<hbm>>
      tpu.wait_indirect_dma semaphore(%arg18 : memref<!tpu.dma_semaphore, #tpu.memory_space<semaphore_mem>>) src(%dma_wait3A_406 : memref<10000x128xf32, #tpu.memory_space<hbm>>) dst(%arg12 : memref<112x128xf32, #tpu.memory_space<vmem>>)
      %dma_start3A_407 = arith.constant 1 : i32
      %dma_start3A_408 = arith.constant 0 : i32
      %dma_start3A_409 = tpu.memref_slice %arg9[%dma_start3A_407, %dma_start3A_408] : memref<2x112xi32, #tpu.memory_space<vmem>> -> memref<1x112xi32, #tpu.memory_space<vmem>>
      %dma_start3A_410 = tpu.memref_squeeze %dma_start3A_409 : memref<1x112xi32, #tpu.memory_space<vmem>> -> memref<112xi32, #tpu.memory_space<vmem>>
      %dma_start3A_411 = arith.constant 0 : i32
      %dma_start3A_412 = arith.constant 0 : i32
      %dma_start3A_413 = tpu.memref_slice %arg8[%dma_start3A_411, %dma_start3A_412] : memref<10240x128xf32, #tpu.memory_space<vmem_shared>> -> memref<10240x128xf32, #tpu.memory_space<vmem_shared>>
      tpu.enqueue_indirect_dma source(%arg12 : memref<112x128xf32, #tpu.memory_space<vmem>>) target(%dma_start3A_413 : memref<10240x128xf32, #tpu.memory_space<vmem_shared>>) offsets(%dma_start3A_410 : memref<112xi32, #tpu.memory_space<vmem>>) semaphore(%arg21 : memref<!tpu.dma_semaphore, #tpu.memory_space<semaphore_mem>>) {add = true}
    }
    %scan3A_145 = arith.constant 29 : i32
    %dma_wait3A_146 = arith.constant 0 : i32
    %dma_wait3A_147 = arith.constant 0 : i32
    %dma_wait3A_148 = tpu.memref_slice %arg11[%dma_wait3A_146, %dma_wait3A_147] : memref<2x112xi32, #tpu.memory_space<vmem>> -> memref<1x112xi32, #tpu.memory_space<vmem>>
    %dma_wait3A_149 = tpu.memref_squeeze %dma_wait3A_148 : memref<1x112xi32, #tpu.memory_space<vmem>> -> memref<112xi32, #tpu.memory_space<vmem>>
    %dma_wait3A_150 = arith.constant 0 : i32
    %dma_wait3A_151 = tpu.memref_slice %arg3[%dma_wait3A_150] : memref<320000xi32, #tpu.memory_space<hbm>> -> memref<112xi32, #tpu.memory_space<hbm>>
    %dma_wait3A_152 = arith.constant 0 : i32
    %dma_wait3A_153 = tpu.memref_slice %arg11[%dma_wait3A_146, %dma_wait3A_152] : memref<2x112xi32, #tpu.memory_space<vmem>> -> memref<1x112xi32, #tpu.memory_space<vmem>>
    %dma_wait3A_154 = tpu.memref_squeeze %dma_wait3A_153 : memref<1x112xi32, #tpu.memory_space<vmem>> -> memref<112xi32, #tpu.memory_space<vmem>>
    %dma_wait3A_155 = arith.constant 0 : i32
    %dma_wait3A_156 = tpu.memref_slice %arg3[%dma_wait3A_155] : memref<320000xi32, #tpu.memory_space<hbm>> -> memref<112xi32, #tpu.memory_space<hbm>>
    tpu.wait_dma2 semaphore(%arg17 : memref<!tpu.dma_semaphore, #tpu.memory_space<semaphore_mem>>) src(%dma_wait3A_156 : memref<112xi32, #tpu.memory_space<hbm>>) dst(%dma_wait3A_154 : memref<112xi32, #tpu.memory_space<vmem>>)
    %dma_wait3A_157 = arith.constant 1 : i32
    %dma_wait3A_158 = arith.constant 0 : i32
    %dma_wait3A_159 = tpu.memref_slice %arg11[%dma_wait3A_157, %dma_wait3A_158] : memref<2x112xi32, #tpu.memory_space<vmem>> -> memref<1x112xi32, #tpu.memory_space<vmem>>
    %dma_wait3A_160 = tpu.memref_squeeze %dma_wait3A_159 : memref<1x112xi32, #tpu.memory_space<vmem>> -> memref<112xi32, #tpu.memory_space<vmem>>
    %dma_wait3A_161 = arith.constant 0 : i32
    %dma_wait3A_162 = tpu.memref_slice %arg4[%dma_wait3A_161] : memref<320000xi32, #tpu.memory_space<hbm>> -> memref<112xi32, #tpu.memory_space<hbm>>
    %dma_wait3A_163 = arith.constant 0 : i32
    %dma_wait3A_164 = tpu.memref_slice %arg11[%dma_wait3A_157, %dma_wait3A_163] : memref<2x112xi32, #tpu.memory_space<vmem>> -> memref<1x112xi32, #tpu.memory_space<vmem>>
    %dma_wait3A_165 = tpu.memref_squeeze %dma_wait3A_164 : memref<1x112xi32, #tpu.memory_space<vmem>> -> memref<112xi32, #tpu.memory_space<vmem>>
    %dma_wait3A_166 = arith.constant 0 : i32
    %dma_wait3A_167 = tpu.memref_slice %arg4[%dma_wait3A_166] : memref<320000xi32, #tpu.memory_space<hbm>> -> memref<112xi32, #tpu.memory_space<hbm>>
    tpu.wait_dma2 semaphore(%arg17 : memref<!tpu.dma_semaphore, #tpu.memory_space<semaphore_mem>>) src(%dma_wait3A_167 : memref<112xi32, #tpu.memory_space<hbm>>) dst(%dma_wait3A_165 : memref<112xi32, #tpu.memory_space<vmem>>)
    %dma_start3A_168 = arith.constant 0 : i32
    %dma_start3A_169 = arith.constant 0 : i32
    %dma_start3A_170 = tpu.memref_slice %arg11[%dma_start3A_168, %dma_start3A_169] : memref<2x112xi32, #tpu.memory_space<vmem>> -> memref<1x112xi32, #tpu.memory_space<vmem>>
    %dma_start3A_171 = tpu.memref_squeeze %dma_start3A_170 : memref<1x112xi32, #tpu.memory_space<vmem>> -> memref<112xi32, #tpu.memory_space<vmem>>
    %dma_start3A_172 = arith.constant 0 : i32
    %dma_start3A_173 = arith.constant 0 : i32
    %dma_start3A_174 = tpu.memref_slice %arg2[%dma_start3A_172, %dma_start3A_173] : memref<10000x128xf32, #tpu.memory_space<hbm>> -> memref<10000x128xf32, #tpu.memory_space<hbm>>
    tpu.enqueue_indirect_dma source(%dma_start3A_174 : memref<10000x128xf32, #tpu.memory_space<hbm>>) target(%arg14 : memref<112x128xf32, #tpu.memory_space<vmem>>) offsets(%dma_start3A_171 : memref<112xi32, #tpu.memory_space<vmem>>) semaphore(%arg20 : memref<!tpu.dma_semaphore, #tpu.memory_space<semaphore_mem>>)
    %dma_wait3A_175 = arith.constant 0 : i32
    %dma_wait3A_176 = arith.constant 0 : i32
    %dma_wait3A_177 = tpu.memref_slice %arg10[%dma_wait3A_175, %dma_wait3A_176] : memref<2x112xi32, #tpu.memory_space<vmem>> -> memref<1x112xi32, #tpu.memory_space<vmem>>
    %dma_wait3A_178 = tpu.memref_squeeze %dma_wait3A_177 : memref<1x112xi32, #tpu.memory_space<vmem>> -> memref<112xi32, #tpu.memory_space<vmem>>
    %dma_wait3A_179 = arith.constant 0 : i32
    %dma_wait3A_180 = arith.constant 0 : i32
    %dma_wait3A_181 = tpu.memref_slice %arg2[%dma_wait3A_179, %dma_wait3A_180] : memref<10000x128xf32, #tpu.memory_space<hbm>> -> memref<10000x128xf32, #tpu.memory_space<hbm>>
    tpu.wait_indirect_dma semaphore(%arg19 : memref<!tpu.dma_semaphore, #tpu.memory_space<semaphore_mem>>) src(%dma_wait3A_181 : memref<10000x128xf32, #tpu.memory_space<hbm>>) dst(%arg13 : memref<112x128xf32, #tpu.memory_space<vmem>>)
    %dma_start3A_182 = arith.constant 1 : i32
    %dma_start3A_183 = arith.constant 0 : i32
    %dma_start3A_184 = tpu.memref_slice %arg10[%dma_start3A_182, %dma_start3A_183] : memref<2x112xi32, #tpu.memory_space<vmem>> -> memref<1x112xi32, #tpu.memory_space<vmem>>
    %dma_start3A_185 = tpu.memref_squeeze %dma_start3A_184 : memref<1x112xi32, #tpu.memory_space<vmem>> -> memref<112xi32, #tpu.memory_space<vmem>>
    %dma_start3A_186 = arith.constant 0 : i32
    %dma_start3A_187 = arith.constant 0 : i32
    %dma_start3A_188 = tpu.memref_slice %arg8[%dma_start3A_186, %dma_start3A_187] : memref<10240x128xf32, #tpu.memory_space<vmem_shared>> -> memref<10240x128xf32, #tpu.memory_space<vmem_shared>>
    tpu.enqueue_indirect_dma source(%arg13 : memref<112x128xf32, #tpu.memory_space<vmem>>) target(%dma_start3A_188 : memref<10240x128xf32, #tpu.memory_space<vmem_shared>>) offsets(%dma_start3A_185 : memref<112xi32, #tpu.memory_space<vmem>>) semaphore(%arg22 : memref<!tpu.dma_semaphore, #tpu.memory_space<semaphore_mem>>) {add = true}
    %dma_wait3A_189 = arith.constant 0 : i32
    %dma_wait3A_190 = arith.constant 0 : i32
    %dma_wait3A_191 = tpu.memref_slice %arg11[%dma_wait3A_189, %dma_wait3A_190] : memref<2x112xi32, #tpu.memory_space<vmem>> -> memref<1x112xi32, #tpu.memory_space<vmem>>
    %dma_wait3A_192 = tpu.memref_squeeze %dma_wait3A_191 : memref<1x112xi32, #tpu.memory_space<vmem>> -> memref<112xi32, #tpu.memory_space<vmem>>
    %dma_wait3A_193 = arith.constant 0 : i32
    %dma_wait3A_194 = arith.constant 0 : i32
    %dma_wait3A_195 = tpu.memref_slice %arg2[%dma_wait3A_193, %dma_wait3A_194] : memref<10000x128xf32, #tpu.memory_space<hbm>> -> memref<10000x128xf32, #tpu.memory_space<hbm>>
    tpu.wait_indirect_dma semaphore(%arg20 : memref<!tpu.dma_semaphore, #tpu.memory_space<semaphore_mem>>) src(%dma_wait3A_195 : memref<10000x128xf32, #tpu.memory_space<hbm>>) dst(%arg14 : memref<112x128xf32, #tpu.memory_space<vmem>>)
    %dma_start3A_196 = arith.constant 1 : i32
    %dma_start3A_197 = arith.constant 0 : i32
    %dma_start3A_198 = tpu.memref_slice %arg11[%dma_start3A_196, %dma_start3A_197] : memref<2x112xi32, #tpu.memory_space<vmem>> -> memref<1x112xi32, #tpu.memory_space<vmem>>
    %dma_start3A_199 = tpu.memref_squeeze %dma_start3A_198 : memref<1x112xi32, #tpu.memory_space<vmem>> -> memref<112xi32, #tpu.memory_space<vmem>>
    %dma_start3A_200 = arith.constant 0 : i32
    %dma_start3A_201 = arith.constant 0 : i32
    %dma_start3A_202 = tpu.memref_slice %arg8[%dma_start3A_200, %dma_start3A_201] : memref<10240x128xf32, #tpu.memory_space<vmem_shared>> -> memref<10240x128xf32, #tpu.memory_space<vmem_shared>>
    tpu.enqueue_indirect_dma source(%arg14 : memref<112x128xf32, #tpu.memory_space<vmem>>) target(%dma_start3A_202 : memref<10240x128xf32, #tpu.memory_space<vmem_shared>>) offsets(%dma_start3A_199 : memref<112xi32, #tpu.memory_space<vmem>>) semaphore(%arg23 : memref<!tpu.dma_semaphore, #tpu.memory_space<semaphore_mem>>) {add = true}
    %dma_wait3A_203 = arith.constant 1 : i32
    %dma_wait3A_204 = arith.constant 0 : i32
    %dma_wait3A_205 = tpu.memref_slice %arg9[%dma_wait3A_203, %dma_wait3A_204] : memref<2x112xi32, #tpu.memory_space<vmem>> -> memref<1x112xi32, #tpu.memory_space<vmem>>
    %dma_wait3A_206 = tpu.memref_squeeze %dma_wait3A_205 : memref<1x112xi32, #tpu.memory_space<vmem>> -> memref<112xi32, #tpu.memory_space<vmem>>
    %dma_wait3A_207 = arith.constant 0 : i32
    %dma_wait3A_208 = arith.constant 0 : i32
    %dma_wait3A_209 = tpu.memref_slice %arg8[%dma_wait3A_207, %dma_wait3A_208] : memref<10240x128xf32, #tpu.memory_space<vmem_shared>> -> memref<10240x128xf32, #tpu.memory_space<vmem_shared>>
    tpu.wait_indirect_dma semaphore(%arg21 : memref<!tpu.dma_semaphore, #tpu.memory_space<semaphore_mem>>) src(%arg12 : memref<112x128xf32, #tpu.memory_space<vmem>>) dst(%dma_wait3A_209 : memref<10240x128xf32, #tpu.memory_space<vmem_shared>>)
    %dma_wait3A_210 = arith.constant 1 : i32
    %dma_wait3A_211 = arith.constant 0 : i32
    %dma_wait3A_212 = tpu.memref_slice %arg10[%dma_wait3A_210, %dma_wait3A_211] : memref<2x112xi32, #tpu.memory_space<vmem>> -> memref<1x112xi32, #tpu.memory_space<vmem>>
    %dma_wait3A_213 = tpu.memref_squeeze %dma_wait3A_212 : memref<1x112xi32, #tpu.memory_space<vmem>> -> memref<112xi32, #tpu.memory_space<vmem>>
    %dma_wait3A_214 = arith.constant 0 : i32
    %dma_wait3A_215 = arith.constant 0 : i32
    %dma_wait3A_216 = tpu.memref_slice %arg8[%dma_wait3A_214, %dma_wait3A_215] : memref<10240x128xf32, #tpu.memory_space<vmem_shared>> -> memref<10240x128xf32, #tpu.memory_space<vmem_shared>>
    tpu.wait_indirect_dma semaphore(%arg22 : memref<!tpu.dma_semaphore, #tpu.memory_space<semaphore_mem>>) src(%arg13 : memref<112x128xf32, #tpu.memory_space<vmem>>) dst(%dma_wait3A_216 : memref<10240x128xf32, #tpu.memory_space<vmem_shared>>)
    %dma_wait3A_217 = arith.constant 1 : i32
    %dma_wait3A_218 = arith.constant 0 : i32
    %dma_wait3A_219 = tpu.memref_slice %arg11[%dma_wait3A_217, %dma_wait3A_218] : memref<2x112xi32, #tpu.memory_space<vmem>> -> memref<1x112xi32, #tpu.memory_space<vmem>>
    %dma_wait3A_220 = tpu.memref_squeeze %dma_wait3A_219 : memref<1x112xi32, #tpu.memory_space<vmem>> -> memref<112xi32, #tpu.memory_space<vmem>>
    %dma_wait3A_221 = arith.constant 0 : i32
    %dma_wait3A_222 = arith.constant 0 : i32
    %dma_wait3A_223 = tpu.memref_slice %arg8[%dma_wait3A_221, %dma_wait3A_222] : memref<10240x128xf32, #tpu.memory_space<vmem_shared>> -> memref<10240x128xf32, #tpu.memory_space<vmem_shared>>
    tpu.wait_indirect_dma semaphore(%arg23 : memref<!tpu.dma_semaphore, #tpu.memory_space<semaphore_mem>>) src(%arg14 : memref<112x128xf32, #tpu.memory_space<vmem>>) dst(%dma_wait3A_223 : memref<10240x128xf32, #tpu.memory_space<vmem_shared>>)
    %barrier3A_224 = arith.constant 0 : index
    tpu.barrier barrier_id(%barrier3A_224)
    %mul3A_225 = arith.constant 640 : i32
    %mul3A_226 = arith.muli %arg1, %mul3A_225 : i32
    %mul3A_227 = arith.constant 640 : i32
    %mul3A_228 = arith.muli %arg1, %mul3A_227 : i32
    "tpu.region"() ({
      %run_scoped3A = tpu.sem_alloc : memref<!tpu.dma_semaphore, #tpu.memory_space<semaphore_mem>>
      %dma_start3A_229 = arith.constant 0 : i32
      %dma_start3A_230 = tpu.memref_slice %arg7[%arg0, %mul3A_228, %dma_start3A_229] : memref<2x10240x128xf32, #tpu.memory_space<hbm>> -> memref<1x640x128xf32, #tpu.memory_space<hbm>>
      %dma_start3A_231 = tpu.memref_squeeze %dma_start3A_230 : memref<1x640x128xf32, #tpu.memory_space<hbm>> -> memref<640x128xf32, #tpu.memory_space<hbm>>
      %dma_start3A_232 = arith.constant 0 : i32
      %dma_start3A_233 = tpu.memref_slice %arg8[%mul3A_226, %dma_start3A_232] : memref<10240x128xf32, #tpu.memory_space<vmem_shared>> -> memref<640x128xf32, #tpu.memory_space<vmem_shared>>
      tpu.enqueue_dma source(%dma_start3A_233 : memref<640x128xf32, #tpu.memory_space<vmem_shared>>) target(%dma_start3A_231 : memref<640x128xf32, #tpu.memory_space<hbm>>) target_semaphore(%run_scoped3A : memref<!tpu.dma_semaphore, #tpu.memory_space<semaphore_mem>>)
      %dma_wait3A_234 = arith.constant 0 : i32
      %dma_wait3A_235 = tpu.memref_slice %arg7[%arg0, %mul3A_228, %dma_wait3A_234] : memref<2x10240x128xf32, #tpu.memory_space<hbm>> -> memref<1x640x128xf32, #tpu.memory_space<hbm>>
      %dma_wait3A_236 = tpu.memref_squeeze %dma_wait3A_235 : memref<1x640x128xf32, #tpu.memory_space<hbm>> -> memref<640x128xf32, #tpu.memory_space<hbm>>
      %dma_wait3A_237 = arith.constant 0 : i32
      %dma_wait3A_238 = tpu.memref_slice %arg8[%mul3A_226, %dma_wait3A_237] : memref<10240x128xf32, #tpu.memory_space<vmem_shared>> -> memref<640x128xf32, #tpu.memory_space<vmem_shared>>
      tpu.wait_dma2 semaphore(%run_scoped3A : memref<!tpu.dma_semaphore, #tpu.memory_space<semaphore_mem>>) src(%dma_wait3A_238 : memref<640x128xf32, #tpu.memory_space<vmem_shared>>) dst(%dma_wait3A_236 : memref<640x128xf32, #tpu.memory_space<hbm>>)
      tpu.yield
    }) : () -> ()
    return
  }
}

module attributes {stable_mosaic.version = 14 : i64} {
  func.func @_tc_dense_body(%arg0: i32, %arg1: memref<1000x128xf32, #tpu.memory_space<vmem>>, %arg2: memref<1000x128xf32, #tpu.memory_space<vmem>>, %arg3: memref<1000x128xf32, #tpu.memory_space<vmem>>, %arg4: memref<256x128xf32, #tpu.memory_space<vmem>>, %arg5: memref<1x128xf32, #tpu.memory_space<vmem>>, %arg6: memref<1000x128xf32, #tpu.memory_space<vmem>>) attributes {dimension_semantics = [#tpu.dimension_semantics<arbitrary>], iteration_bounds = array<i64: 10>, scalar_prefetch = 0 : i64, scratch_operands = 0 : i64, tpu.core_type = #tpu.core_type<tc>, window_params = [{transform_indices = @transform_0, window_bounds = array<i64: 1000, 128>}, {transform_indices = @transform_1, window_bounds = array<i64: 1000, 128>}, {transform_indices = @transform_2, window_bounds = array<i64: 1000, 128>}, {pipeline_mode = #tpu.pipeline_mode<synchronous>, transform_indices = @transform_3, window_bounds = array<i64: 256, 128>}, {pipeline_mode = #tpu.pipeline_mode<synchronous>, transform_indices = @transform_4, window_bounds = array<i64: 1, 128>}, {transform_indices = @transform_5, window_bounds = array<i64: 1000, 128>}]} {
    %get3A = arith.constant 0 : index
    %get3A_0 = arith.constant 0 : index
    %get3A_1 = vector.load %arg2[%get3A, %get3A_0] : memref<1000x128xf32, #tpu.memory_space<vmem>>, vector<1000x128xf32>
    %get3A_2 = arith.constant 0 : index
    %get3A_3 = arith.constant 0 : index
    %get3A_4 = vector.load %arg3[%get3A_2, %get3A_3] : memref<1000x128xf32, #tpu.memory_space<vmem>>, vector<1000x128xf32>
    %add3A = arith.addf %get3A_1, %get3A_4 : vector<1000x128xf32>
    %get3A_5 = arith.constant 0 : index
    %get3A_6 = arith.constant 0 : index
    %get3A_7 = vector.load %arg1[%get3A_5, %get3A_6] : memref<1000x128xf32, #tpu.memory_space<vmem>>, vector<1000x128xf32>
    %get3A_8 = arith.constant 0 : index
    %get3A_9 = arith.constant 0 : index
    %get3A_10 = vector.load %arg4[%get3A_8, %get3A_9] : memref<256x128xf32, #tpu.memory_space<vmem>>, vector<128x128xf32>
    %dot_general3A = arith.constant dense<0.000000e+00> : vector<1000x128xf32>
    %dot_general3A_11 = tpu.matmul %get3A_7, %get3A_10, %dot_general3A {dimension_numbers = #tpu.dot_dimension_numbers<[1], [0], [0], [1], [0, 0, 1, 1], [], []>, transpose_lhs_hint = false} : vector<1000x128xf32>, vector<128x128xf32>, vector<1000x128xf32> -> vector<1000x128xf32>
    %get3A_12 = arith.constant 128 : index
    %get3A_13 = arith.constant 0 : index
    %get3A_14 = vector.load %arg4[%get3A_12, %get3A_13] : memref<256x128xf32, #tpu.memory_space<vmem>>, vector<128x128xf32>
    %dot_general3A_15 = arith.constant dense<0.000000e+00> : vector<1000x128xf32>
    %dot_general3A_16 = tpu.matmul %add3A, %get3A_14, %dot_general3A_15 {dimension_numbers = #tpu.dot_dimension_numbers<[1], [0], [0], [1], [0, 0, 1, 1], [], []>, transpose_lhs_hint = false} : vector<1000x128xf32>, vector<128x128xf32>, vector<1000x128xf32> -> vector<1000x128xf32>
    %add3A_17 = arith.addf %dot_general3A_11, %dot_general3A_16 : vector<1000x128xf32>
    %get3A_18 = arith.constant 0 : index
    %get3A_19 = arith.constant 0 : index
    %get3A_20 = vector.load %arg5[%get3A_18, %get3A_19] : memref<1x128xf32, #tpu.memory_space<vmem>>, vector<1x128xf32>
    %add3A_21 = vector.broadcast %get3A_20 : vector<1x128xf32> to vector<1000x128xf32>
    %add3A_22 = arith.addf %add3A_17, %add3A_21 : vector<1000x128xf32>
    %max3A = arith.constant 0.000000e+00 : f32
    %max3A_23 = vector.broadcast %max3A : f32 to vector<1000x128xf32>
    %max3A_24 = arith.maximumf %add3A_22, %max3A_23 : vector<1000x128xf32>
    %swap3A = arith.constant 0 : index
    %swap3A_25 = arith.constant 0 : index
    %swap3A_26 = vector.load %arg6[%swap3A, %swap3A_25] : memref<1000x128xf32, #tpu.memory_space<vmem>>, vector<1000x128xf32>
    tpu.vector_store %arg6[%swap3A, %swap3A_25], %max3A_24 {strides = array<i32>} : memref<1000x128xf32, #tpu.memory_space<vmem>>, vector<1000x128xf32>,
    return
  }
  func.func @transform_0(%arg0: i32) -> (i32, i32) {
    %c0_i32 = arith.constant 0 : i32
    %c0_i32_0 = arith.constant 0 : i32
    return %arg0, %c0_i32 : i32, i32
  }
  func.func @transform_1(%arg0: i32) -> (i32, i32) {
    %c0_i32 = arith.constant 0 : i32
    %c0_i32_0 = arith.constant 0 : i32
    return %arg0, %c0_i32 : i32, i32
  }
  func.func @transform_2(%arg0: i32) -> (i32, i32) {
    %c0_i32 = arith.constant 0 : i32
    %c0_i32_0 = arith.constant 0 : i32
    return %arg0, %c0_i32 : i32, i32
  }
  func.func @transform_3(%arg0: i32) -> (i32, i32) {
    %c0_i32 = arith.constant 0 : i32
    %c0_i32_0 = arith.constant 0 : i32
    %c0_i32_1 = arith.constant 0 : i32
    return %c0_i32, %c0_i32_0 : i32, i32
  }
  func.func @transform_4(%arg0: i32) -> (i32, i32) {
    %c0_i32 = arith.constant 0 : i32
    %c0_i32_0 = arith.constant 0 : i32
    %c0_i32_1 = arith.constant 0 : i32
    return %c0_i32, %c0_i32_0 : i32, i32
  }
  func.func @transform_5(%arg0: i32) -> (i32, i32) {
    %c0_i32 = arith.constant 0 : i32
    %c0_i32_0 = arith.constant 0 : i32
    return %arg0, %c0_i32 : i32, i32
  }
}

</mosaic_0001>

<sc_bundles>
// kernel: kernel.4.cloned.1.call-start
scs
__scs_entry_jumppad:
0x0: {  	(pc) =	sbr.rel $0x88, $3  }
0x1: {  	(tag) =	ssettag $0x0;
	lr =	simm.s32 $0x1  }
0x2: {  	[smem:$0x3F9D] =	sst lr;
	_ =	strace $0xD0000000  }
0x3: {  	_ = 	snop  }
0x4: {  	_ = 	snop  }
0x5: {  	_ = 	snop  }
0x6: {  	_ = 	snop  }
0x7: {  	_ = 	snop  }
__scs_overlays_trampoline_lowered:
0x8: {  	[smem:$0x3FAC] =	sst s0  }
0x9: {  	[smem:$0x3FAD] =	sst s1  }
0xa: {  	[smem:$0x3FAE] =	sst s2  }
0xb: {  	[smem:$0x3FAF] =	sst s3  }
0xc: {  	[smem:$0x3FB0] =	sst s4  }
0xd: {  	[smem:$0x3FB1] =	sst s5  }
0xe: {  	[smem:$0x3FB2] =	sst s6  }
0xf: {  	[smem:$0x3FB3] =	sst s7  }
0x10: {  	[smem:$0x3FB4] =	sst s8  }
0x11: {  	[smem:$0x3FB5] =	sst s9;
	s0 =	simm.s32 @!p0 $0x0  }
0x12: {  	s1 =	sld [smem:$0x3F9B];
	s0 =	simm.s32 @p0 $0x1  }
0x13: {  	[smem:$0x3FB6] =	sst s0;
	s0 =	simm.s32 @!p1 $0x0  }
0x14: {  	s2 =	sld [smem:$0x3F9A];
	s0 =	simm.s32 @p1 $0x1  }
0x15: {  	[smem:$0x3FB7] =	sst s0;
	s0 =	simm.s32 @!p2 $0x0  }
0x16: {  	s3 =	sld [smem:$0x3FDB];
	s0 =	simm.s32 @p2 $0x1  }
0x17: {  	s4 =	simm.s32 $0x1BF5;
	[smem:$0x3FB9] =	sst s0  }
0x18: {  	s0 =	sld [smem:$0x3F9C];
	_ =	swait.ge [sflag:s4], $0x0  }
0x19: {  	s7 =	sld [smem:$0x3F9D]  }
0x1a: {  	s8 =	sadd.s32 $0xFFFFE003, lr  }
0x1b: {  	s9 =	sadd.s32 $0xFFFFFEF7, lr;
	s5 =	simm.s32 $0xFFFFFFFF;
	p2 =	slt.u32 s8, $0xFFFFF086  }
0x1c: {  	p1 =	slt.u32 s9, $0xF7A;
	s5 =	simm.s32 @!p2 $0x0  }
0x1d: {  	s5 =	simm.s32 @p1 $0x1;
	p0 =	seq.s32 s7, s2  }
0x1e: {  	s7 =	smul.u32 @!p0 $0xF7A, s2;
	p2 =	seq.s32 @!p0 s5, $0x0  }
0x1f: {  	s9 =	smul.u32 $0xF7A, s1;
	s8 =	simm.s32 @!p0 $0x1BF5;
	p2 =	por !p2, p0  }
0x20: {  	[sflag:s8] =	ssyncset.s32 @!p0 $0xFFFFF086;
	s6 =	sadd.s32 @!p0 s3, s7;
	s7 =	simm.s32 @!p0 $0x108  }
0x21: {  	s3 =	sadd.s32 s3, s9;
	s6 =	sadd.s32 @!p0 $0x88, s6;
	s7 =	simm.s32 @p2 $0x1082  }
0x22: {  	[simem:s7], [sflag:s8] =	dma.local @!p0 [hbm:s6], $0xF7A  }
0x23: {  	s9 =	sor.u32 $0xD0000000, s2;
	s6 =	simm.s32 $0x108;
	_ =	swait.ge @!p0 [sflag:s8], $0x0  }
0x24: {  	s3 =	sadd.s32 $0x88, s3;
	s6 =	simm.s32 @!p1 $0x1082;
	[sflag:s4] =	ssyncset.s32 $0xFFFFF086  }
0x25: {  	[simem:s6], [sflag:s4] =	dma.local [hbm:s3], $0xF7A  }
0x26: {  	[smem:$0x3F9D] =	sst s1;
	(tag) =	ssettag s2;
	_ =	strace s9  }
0x27: {  	s1 =	sld [smem:$0x3FAD]  }
0x28: {  	s2 =	sld [smem:$0x3FAE]  }
0x29: {  	s4 =	sld [smem:$0x3FB0]  }
0x2a: {  	p0 =	seq.s32 s5, $0x0;
	s5 =	sld [smem:$0x3FB1]  }
0x2b: {  	s6 =	sld [smem:$0x3FB2]  }
0x2c: {  	s7 =	sld [smem:$0x3FB3]  }
0x2d: {  	s3 =	simm.s32 $0x108;
	s8 =	sld [smem:$0x3FB4]  }
0x2e: {  	s3 =	simm.s32 @!p0 $0x1082;
	s9 =	sld [smem:$0x3FB5]  }
0x2f: {  	lr =	sadd.s32 s0, s3;
	s0 =	sld [smem:$0x3FAC]  }
0x30: {  	s3 =	sld [smem:$0x3FAF]  }
0x31: {  	[smem:$0x3FB8] =	sst s10  }
0x32: {  	s10 =	sld [smem:$0x3FB6];
	_ =	sdelay $0x3  }
0x33: {  	p0 =	seq.s32 s10, $0x1;
	s10 =	sld [smem:$0x3FB8];
	_ =	sdelay $0x3  }
0x34: {  	[smem:$0x3FB8] =	sst s10  }
0x35: {  	s10 =	sld [smem:$0x3FB7];
	_ =	sdelay $0x3  }
0x36: {  	p1 =	seq.s32 s10, $0x1;
	s10 =	sld [smem:$0x3FB8];
	_ =	sdelay $0x3  }
0x37: {  	[smem:$0x3FB8] =	sst s10  }
0x38: {  	s10 =	sld [smem:$0x3FB9]  }
0x39: {  	_ = 	snop;
	(pc) =	sbr.ind lr, $3  }
0x3a: {  	_ = 	snop  }
0x3b: {  	_ = 	snop  }
0x3c: {  	p2 =	seq.s32 s10, $0x1;
	s10 =	sld [smem:$0x3FB8]  }
0x3d: {  	_ =	shalt  }
0x3e: {  	_ =	shalt  }
0x3f: {  	_ =	shalt  }
0x40: {  	_ =	shalt  }
0x41: {  	_ =	shalt  }
0x42: {  	_ =	shalt  }
0x43: {  	_ =	shalt  }
0x44: {  	_ =	shalt  }
0x45: {  	_ =	shalt  }
0x46: {  	_ =	shalt  }
0x47: {  	_ =	shalt  }
0x48: {  	_ =	shalt  }
0x49: {  	_ =	shalt  }
0x4a: {  	_ =	shalt  }
0x4b: {  	_ =	shalt  }
0x4c: {  	_ =	shalt  }
0x4d: {  	_ =	shalt  }
0x4e: {  	_ =	shalt  }
0x4f: {  	_ =	shalt  }
0x50: {  	_ =	shalt  }
0x51: {  	_ =	shalt  }
0x52: {  	_ =	shalt  }
0x53: {  	_ =	shalt  }
0x54: {  	_ =	shalt  }
0x55: {  	_ =	shalt  }
0x56: {  	_ =	shalt  }
0x57: {  	_ =	shalt  }
0x58: {  	_ =	shalt  }
0x59: {  	_ =	shalt  }
0x5a: {  	_ =	shalt  }
0x5b: {  	_ =	shalt  }
0x5c: {  	_ =	shalt  }
0x5d: {  	_ =	shalt  }
0x5e: {  	_ =	shalt  }
0x5f: {  	_ =	shalt  }
0x60: {  	_ =	shalt  }
0x61: {  	_ =	shalt  }
0x62: {  	_ =	shalt  }
0x63: {  	_ =	shalt  }
0x64: {  	_ =	shalt  }
0x65: {  	_ =	shalt  }
0x66: {  	_ =	shalt  }
0x67: {  	_ =	shalt  }
0x68: {  	_ =	shalt  }
0x69: {  	_ =	shalt  }
0x6a: {  	_ =	shalt  }
0x6b: {  	_ =	shalt  }
0x6c: {  	_ =	shalt  }
0x6d: {  	_ =	shalt  }
0x6e: {  	_ =	shalt  }
0x6f: {  	_ =	shalt  }
0x70: {  	_ =	shalt  }
0x71: {  	_ =	shalt  }
0x72: {  	_ =	shalt  }
0x73: {  	_ =	shalt  }
0x74: {  	_ =	shalt  }
0x75: {  	_ =	shalt  }
0x76: {  	_ =	shalt  }
0x77: {  	_ =	shalt  }
0x78: {  	_ =	shalt  }
0x79: {  	_ =	shalt  }
0x7a: {  	_ =	shalt  }
0x7b: {  	_ =	shalt  }
0x7c: {  	_ =	shalt  }
0x7d: {  	_ =	shalt  }
0x7e: {  	_ =	shalt  }
0x7f: {  	_ =	shalt  }
0x80: {  	_ =	shalt  }
0x81: {  	_ =	shalt  }
0x82: {  	_ =	shalt  }
0x83: {  	_ =	shalt  }
0x84: {  	_ =	shalt  }
0x85: {  	_ =	shalt  }
0x86: {  	_ =	shalt  }
0x87: {  	_ =	shalt  }
.Lfunc_end0:
.L_simem_size_0:
called_computation_lowered:
.L_overlay_start_0:
0x88: {  	s2 =	sld [smem:$0x3FD9]  }
0x89: {  	s3 =	sld [smem:$0x3FFE];
	_ =	sdelay $0x1  }
0x8a: {  	s1 =	srdreg.scid  }
0x8b: {  	s0 =	sand.u32 $0x1, s1  }
0x8c: {  	s17 =	sshll.u32 s0, $0xA;
	s2 =	sadd.s32 s3, s2  }
0x8d: {  	s2 =	sadd.s32 s2, s17  }
0x8e: {  	[smem:$0x3FC4] =	sst s2  }
0x8f: {  	_ = 	snop  }
0x90: {  	s2 =	sld [smem:$0x3FC9]  }
0x91: {  	s18 =	sld [smem:$0x3FD0];
	(tm) =	ssettm $0x1  }
0x92: {  	s4 =	sld [smem:$0x3FFB];
	_ =	sdelay $0x3  }
0x93: {  	_ =	strace s4  }
0x94: {  	s4 =	sld [smem:$0x3FFC];
	_ =	sdelay $0x3  }
0x95: {  	_ =	strace s4  }
0x96: {  	s4 =	sld [smem:$0x3FFD];
	_ =	sdelay $0x3  }
0x97: {  	_ =	strace s4  }
0x98: {  	_ =	strace $0x8FFFFFFF  }
0x99: {  	s19 =	sld [smem:$0x3FDB];
	_ =	sdelay $0x1  }
0x9a: {  	s5 =	simm.s32 $_scs_section_size  }
0x9b: {  	s6 =	simm.s32 $_size__tile_overlayer_lowered;
	s7 =	simm.s32 $_tile_overlayer_lowered  }
0x9c: {  	s22 =	simm.s32 $0x1BFF;
	s21 =	sshll.u32 s7, $0x1;
	s4 =	sadd.s32 s5, s19  }
0x9d: {  	s8 =	simm.s32 $0x0;
	s20 =	sshll.u32 s6, $0x1;
	s6 =	sadd.s32 s21, s4  }
0x9e: {  	[timem:s8], [sflag:s22] =	dma.local [hbm:s6], s20  }
0x9f: {  	_ =	swait.ge [sflag:s22], s20  }
0xa0: {  	s5 =	ssub.s32 $0x0, s20;
	[sflag:s22] =	ssyncset.done $0x0  }
0xa1: {  	[sflag:s22] =	ssyncadd.s32 s5;
	_ =	sdelay $0x1  }
0xa2: {  	s23 =	simm.s32 $0x1B8B  }
0xa3: {  	_ =	swait.ge [sflag:s23], $0x1  }
0xa4: {  	[sflag:s23] =	ssyncset.done $0x0  }
0xa5: {  	s25 =	simm.s32 $0x1B8E;
	s24 =	sld [smem:$0x3FFE];
	[sflag:s23] =	ssyncadd.s32 $0xFFFFFFFF  }
0xa6: {  	s26 =	simm.s32 $execute0_lowered;
	[smem:$0x3FD2] =	sst s25  }
0xa7: {  	s6 =	sshll.u32 s26, $0x1;
	_ =	strace $0x80000046;
	[dreg:$0x1] =	wrdreg $0xFFFFFFFF  }
0xa8: {  	s28 =	simm.s32 $_size_execute0_lowered;
	s4 =	sadd.s32 s4, s6;
	[dreg:$0x0] =	wrdreg $0x0  }
0xa9: {  	s6 =	sshll.u32 s28, $0x1;
	[dreg:$0x2] =	wrdreg s4  }
0xaa: {  	[dreg:$0x3] =	wrdreg s6  }
0xab: {  	[dreg:$0x4] =	wrdreg $0xC0  }
0xac: {  	_ =	task [dreg:s8], $0x5FFFF  }
0xad: {  	[dreg:$0x1] =	wrdreg $0xFFFFFFFF  }
0xae: {  	[dreg:$0x0] =	wrdreg $0x60  }
0xaf: {  	[dreg:$0x2] =	wrdreg s2  }
0xb0: {  	[dreg:$0x3] =	wrdreg s18  }
0xb1: {  	[dreg:$0x4] =	wrdreg s24  }
0xb2: {  	[dreg:$0x5] =	wrdreg $0x0  }
0xb3: {  	[dreg:$0x6] =	wrdreg $0x9  }
0xb4: {  	_ =	task.clear_ibuf [dreg:s8], $0x7FFFF;
	_ =	strace $0x90000046  }
0xb5: {  	s29 =	simm.s32 $0x9;
	_ =	strace $0x80000048  }
0xb6: {  	_ =	swait.ge [sflag:s29], $0x1  }
0xb7: {  	[sflag:s29] =	ssyncadd.s32 $0xFFFFFFFF  }
0xb8: {  	_ =	strace $0x90000048  }
0xb9: {  	_ =	sfence  }
0xba: {  	s30 =	sld [smem:$0x0];
	_ =	sdelay $0x2  }
0xbb: {  	s31 =	sshll.u32 s1, $0xD;
	s1 =	sshrl.u32 s1, $0x2  }
0xbc: {  	s3 =	sand.u32 $0x4000, s31;
	s1 =	sadd.s32 s1, s30  }
0xbd: {  	s0 =	sor.u32 s3, s0;
	s1 =	sshll.u32 s1, $0x11  }
0xbe: {  	s0 =	sor.u32 s1, s0  }
0xbf: {  	s0 =	sadd.s32 $0x8F2B, s0  }
0xc0: {  	[sflag:s0] =	ssyncadd.remote.s32 $0x1  }
0xc1: {  	_ =	sfence.sel $0xFFFF  }
0xc2: {  	[dreg:$0x0] =	wrdreg $0xFFFFFFFF;
	(pc) =	sbr.abs _section_cstart, $3  }
0xc3: {  	[dreg:$0x1] =	wrdreg $0xFFFFFFFF  }
0xc4: {  	_ =	task.clear_ibuf [dreg:s8], $0x2FFFF;
	_ =	strace $0x9FFFFFFF  }
0xc5: {  	(tm) =	ssettm $0x7FFFFFFF  }
tec
execute0_lowered:
.L_overlay_start_1:
0x0: {  	(tag) =	ssettag $0x1  }
0x1: {  	s1 =	rddreg [dreg:$0x0]  }
0x2: {  	s2 =	rddreg [dreg:$0x1]  }
0x3: {  	s0 =	rddreg [dreg:$0x2]  }
0x4: {  	s4 =	rddreg [dreg:$0x3]  }
0x5: {  	s5 =	simm.s32 $0x0;
	s3 =	srdreg.scid;
	s13 =	stileid.u32  }
0x6: {  	s30 =	simm.s32 $0x2;
	s31 =	simm.s32 $0x17B00;
	s7 =	smul.u32 $0x14000, s13  }
0x7: {  	s3 =	sand.u32 $0x1, s3;
	s6 =	sshll.u32 s13, $0x1;
	s11 =	smul.u32 $0x50000, s13  }
0x8: {  	[smem:$0x7FF] =	sst s5;
	s26 =	sshll.u32 s13, $0x6;
	s28 =	smul.u32 $0x4E20, s13  }
0x9: {  	s8 =	sor.u32 s3, s6;
	s9 =	smul.u32 $0x140000, s3;
	_ =	strace $0x80000047  }
0xa: {  	s6 =	sadd.s32 $0xE00, s0;
	s25 =	ssub.s32 $0x2, s3;
	s14 =	sor.u32 $0x1C0A, s26  }
0xb: {  	s3 =	smul.u32 $0x2710, s3;
	s10 =	sshll.u32 s8, $0x5;
	s12 =	sshrl.u32 s25, $0x1  }
0xc: {  	s11 =	sshrl.u32 s11, $0x2;
	s8 =	smul.u32 $0x2710, s8;
	[dreg:$0xd] =	wrdreg s14  }
0xd: {  	s10 =	sadd.s32 s10, s0;
	s9 =	sadd.s32 s7, s9;
	s7 =	sshrl.u32 s7, $0x3  }
0xe: {  	s11 =	sadd.s32 s11, s4;
	s3 =	sadd.s32 s3, s28;
	s9 =	sshrl.u32 s9, $0x3  }
0xf: {  	s7 =	sadd.s32 s7, s0;
	[dreg:$0xb] =	wrdreg s11;
	s8 =	sshrl.u32 s8, $0x3  }
0x10: {  	s18 =	sadd.s32 $0xAC00, s10;
	s11 =	sadd.s32 $0x230, s3;
	s19 =	sadd.s32 $0xAC10, s10  }
0x11: {  	s22 =	sadd.s32 $0x1C0, s3;
	s10 =	simm.s32 $0x5;
	[dreg:$0x5] =	wrdreg s18  }
0x12: {  	s0 =	sadd.s32 s9, s0;
	s7 =	sadd.s32 $0xB000, s7;
	[dreg:$0x6] =	wrdreg s19  }
0x13: {  	s9 =	ssub.s32 s25, s12;
	s13 =	sadd.s32 s2, s8;
	[dreg:$0xc] =	wrdreg s7  }
0x14: {  	s29 =	sadd.s32 $0xE, s8;
	s15 =	sadd.s32 s6, s8;
	[dreg:$0xe] =	wrdreg s13  }
0x15: {  	s17 =	sadd.s32 $0x1C, s8;
	[dreg:$0xf] =	wrdreg s15;
	s16 =	sadd.s32 s2, s29  }
0x16: {  	s20 =	sshrl.u32 s11, $0x3;
	s7 =	sadd.s32 s6, s29;
	[dreg:$0x10] =	wrdreg s16  }
0x17: {  	s24 =	sshrl.u32 s22, $0x3;
	s8 =	sadd.s32 s2, s17;
	[dreg:$0x11] =	wrdreg s7  }
0x18: {  	s22 =	simm.s32 $0x14100;
	s21 =	sadd.s32 s20, s6;
	[dreg:$0x12] =	wrdreg s8  }
0x19: {  	s11 =	simm.s32 $0x8;
	s23 =	sadd.s32 s20, s2;
	[dreg:$0x7] =	wrdreg s21  }
0x1a: {  	s12 =	simm.s32 $0x6;
	s0 =	sadd.s32 $0x33000, s0;
	[dreg:$0x8] =	wrdreg s23  }
0x1b: {  	s25 =	sadd.s32 s24, s6;
	s26 =	sadd.s32 s24, s2;
	[dreg:$0x14] =	wrdreg s0  }
0x1c: {  	s28 =	smax.u32 s9, $0x1;
	s29 =	sadd.s32 $0x150, s3;
	[dreg:$0x9] =	wrdreg s25  }
0x1d: {  	s15 =	simm.s32 $0xA;
	s20 =	simm.s32 $0x14000;
	[dreg:$0x15] =	wrdreg s28  }
0x1e: {  	s24 =	simm.s32 $0x1;
	s3 =	simm.s32 $0x7;
	[dreg:$0xa] =	wrdreg s26  }
0x1f: {  	s13 =	simm.s32 $0x9;
	s7 =	sadd.s32 s6, s17;
	[dreg:$0x16] =	wrdreg s29  }
0x20: {  	s21 =	simm.s32 $0x14080;
	s23 =	simm.s32 $0x14180;
	s25 =	simm.s32 $0x70  }
0x21: {  	s26 =	simm.s32 $0x14300;
	s0 =	simm.s32 $0x4;
	s8 =	simm.s32 $0x1B300  }
0x22: {  	s16 =	simm.s32 $0x0;
	[dreg:$0x13] =	wrdreg s7;
	s7 =	simm.s32 $0x3  }
.LBB2_1:
0x23: {  	[dreg:$0x17] =	wrdreg s16  }
0x24: {  	s9 =	rddreg [dreg:$0xb]  }
0x25: {  	s29 =	rddreg [dreg:$0xc];
	s28 =	sshrl.u32 s9, $0x3  }
0x26: {  	[dreg:$0x18] =	wrdreg s28  }
0x27: {  	[spmem:s28], [sflag:s14] =	dma.local [hbm:s29], $0x2800  }
0x28: {  	_ =	swait.ge [sflag:s15], $0x2800  }
0x29: {  	[sflag:s15] =	ssyncset.done $0x0  }
0x2a: {  	[sflag:s15] =	ssyncadd.s32 $0xFFFFD800  }
0x2b: {  	[bflag:$0x0] =	sbarrier.arrive $0xFFFF  }
0x2c: {  	s14 =	rddreg [dreg:$0xe]  }
0x2d: {  	[tilespmem:s20], [sflag:$0x1] =	stream.linear.gather [hbm4b:s14+s5], $0x70, $0x38;
	[tilespmem:$0x1EB00] =	vst v63  }
0x2e: {  	s15 =	rddreg [dreg:$0xf]  }
0x2f: {  	[tilespmem:s21], [sflag:$0x1] =	stream.linear.gather [hbm4b:s15+s5], $0x70, $0x38;
	[tilespmem:$0x1EB00] =	vst v63  }
0x30: {  	s16 =	rddreg [dreg:$0x10]  }
0x31: {  	[tilespmem:s22], [sflag:$0x2] =	stream.linear.gather [hbm4b:s16+s5], $0x70, $0x38;
	[tilespmem:$0x1EB00] =	vst v63  }
0x32: {  	s17 =	rddreg [dreg:$0x11]  }
0x33: {  	[tilespmem:s23], [sflag:$0x2] =	stream.linear.gather [hbm4b:s17+s5], $0x70, $0x38;
	[tilespmem:$0x1EB00] =	vst v63  }
0x34: {  	_ =	swait.ge [sflag:s24], $0x70  }
0x35: {  	[sflag:s24] =	ssyncset.done $0x0  }
0x36: {  	[sflag:s24] =	ssyncadd.s32 $0xFFFFFF90  }
0x37: {  	_ =	swait.ge [sflag:s24], $0x70  }
0x38: {  	[sflag:s24] =	ssyncset.done $0x0  }
0x39: {  	[sflag:s24] =	ssyncadd.s32 $0xFFFFFF90  }
0x3a: {  	[tilespmem:s26], [sflag:$0x4] =	stream.indirect.gather [hbm4b:s1+s25], $0x80, s20, s25, $0xb8;
	[tilespmem:$0x1EB00] =	vst v63  }
0x3b: {  	s19 =	simm.s32 $0x14200;
	s18 =	rddreg [dreg:$0x12]  }
0x3c: {  	[tilespmem:s19], [sflag:$0x3] =	stream.linear.gather [hbm4b:s18+s5], $0x70, $0x38;
	[tilespmem:$0x1EB00] =	vst v63  }
0x3d: {  	s17 =	simm.s32 $0x14280;
	s28 =	rddreg [dreg:$0x13]  }
0x3e: {  	[tilespmem:s17], [sflag:$0x3] =	stream.linear.gather [hbm4b:s28+s5], $0x70, $0x38;
	[tilespmem:$0x1EB00] =	vst v63  }
0x3f: {  	_ =	swait.ge [sflag:s30], $0x70  }
0x40: {  	[sflag:s30] =	ssyncset.done $0x0  }
0x41: {  	[sflag:s30] =	ssyncadd.s32 $0xFFFFFF90  }
0x42: {  	_ =	swait.ge [sflag:s30], $0x70  }
0x43: {  	[sflag:s30] =	ssyncset.done $0x0  }
0x44: {  	[sflag:s30] =	ssyncadd.s32 $0xFFFFFF90  }
0x45: {  	[tilespmem:s31], [sflag:$0x5] =	stream.indirect.gather [hbm4b:s1+s25], $0x80, s22, s25, $0xb8;
	[tilespmem:$0x1EB00] =	vst v63  }
0x46: {  	_ =	swait.ge [sflag:s0], $0x3800  }
0x47: {  	[sflag:s0] =	ssyncset.done $0x0  }
0x48: {  	[sflag:s0] =	ssyncadd.s32 $0xFFFFC800  }
0x49: {  	[spmem:s4] =	stream.indirect.scatter.add.f32 [tilespmem:s26], [sflag:$0x7], $0x80, s21, s25, $0xb8;
	[tilespmem:$0x1EB00] =	vst v63  }
0x4a: {  	_ =	swait.ge [sflag:s3], $0x3800  }
0x4b: {  	s14 =	rddreg [dreg:$0x16]  }
0x4c: {  	[sflag:s3] =	ssyncset.done $0x0;
	s29 =	sshrl.u32 s14, $0x3  }
0x4d: {  	[sflag:s3] =	ssyncadd.s32 $0xFFFFC800;
	s18 =	sadd.s32 s2, s29  }
0x4e: {  	[tilespmem:s20], [sflag:$0x1] =	stream.linear.gather [hbm4b:s18+s5], $0x70, $0x38;
	[tilespmem:$0x1EB00] =	vst v63  }
0x4f: {  	s9 =	sadd.s32 s6, s29  }
0x50: {  	[tilespmem:s21], [sflag:$0x1] =	stream.linear.gather [hbm4b:s9+s5], $0x70, $0x38;
	[tilespmem:$0x1EB00] =	vst v63  }
0x51: {  	_ =	swait.ge [sflag:s7], $0x70  }
0x52: {  	[sflag:s7] =	ssyncset.done $0x0  }
0x53: {  	[sflag:s7] =	ssyncadd.s32 $0xFFFFFF90  }
0x54: {  	_ =	swait.ge [sflag:s7], $0x70  }
0x55: {  	[sflag:s7] =	ssyncset.done $0x0  }
0x56: {  	[sflag:s7] =	ssyncadd.s32 $0xFFFFFF90  }
0x57: {  	[tilespmem:s8], [sflag:$0x6] =	stream.indirect.gather [hbm4b:s1+s25], $0x80, s19, s25, $0xb8;
	[tilespmem:$0x1EB00] =	vst v63  }
0x58: {  	_ =	swait.ge [sflag:s10], $0x3800  }
0x59: {  	[sflag:s10] =	ssyncset.done $0x0  }
0x5a: {  	[sflag:s10] =	ssyncadd.s32 $0xFFFFC800  }
0x5b: {  	[spmem:s4] =	stream.indirect.scatter.add.f32 [tilespmem:s31], [sflag:$0x8], $0x80, s23, s25, $0xb8;
	[tilespmem:$0x1EB00] =	vst v63  }
0x5c: {  	_ =	swait.ge [sflag:s11], $0x3800  }
0x5d: {  	s19 =	rddreg [dreg:$0xa];
	[sflag:s11] =	ssyncset.done $0x0  }
0x5e: {  	s28 =	rddreg [dreg:$0x9];
	[sflag:s11] =	ssyncadd.s32 $0xFFFFC800;
	s9 =	sadd.s32 $0x0, s19  }
0x5f: {  	[tilespmem:s22], [sflag:$0x2] =	stream.linear.gather [hbm4b:s9+s5], $0x70, $0x38;
	[tilespmem:$0x1EB00] =	vst v63  }
0x60: {  	s29 =	sadd.s32 $0x0, s28  }
0x61: {  	[tilespmem:s23], [sflag:$0x2] =	stream.linear.gather [hbm4b:s29+s5], $0x70, $0x38;
	[tilespmem:$0x1EB00] =	vst v63  }
0x62: {  	_ =	swait.ge [sflag:s24], $0x70  }
0x63: {  	[sflag:s24] =	ssyncset.done $0x0  }
0x64: {  	[sflag:s24] =	ssyncadd.s32 $0xFFFFFF90  }
0x65: {  	_ =	swait.ge [sflag:s24], $0x70  }
0x66: {  	[sflag:s24] =	ssyncset.done $0x0  }
0x67: {  	[sflag:s24] =	ssyncadd.s32 $0xFFFFFF90  }
0x68: {  	[tilespmem:s26], [sflag:$0x4] =	stream.indirect.gather [hbm4b:s1+s25], $0x80, s20, s25, $0xb8;
	[tilespmem:$0x1EB00] =	vst v63  }
0x69: {  	_ =	swait.ge [sflag:s12], $0x3800  }
0x6a: {  	[sflag:s12] =	ssyncset.done $0x0  }
0x6b: {  	[sflag:s12] =	ssyncadd.s32 $0xFFFFC800  }
0x6c: {  	[spmem:s4] =	stream.indirect.scatter.add.f32 [tilespmem:s8], [sflag:$0x9], $0x80, s17, s25, $0xb8;
	[tilespmem:$0x1EB00] =	vst v63  }
0x6d: {  	p0 =	por $0x0, $0x0;
	_ =	swait.ge [sflag:s13], $0x3800  }
0x6e: {  	s16 =	simm.s32 @p0 $0x0;
	[sflag:s13] =	ssyncset.done $0x0  }
0x6f: {  	s17 =	simm.s32 @p0 $0x14200;
	s9 =	rddreg [dreg:$0x5];
	[sflag:s13] =	ssyncadd.s32 $0xFFFFC800  }
0x70: {  	[tilespmem:s17], [sflag:$0x3] =	stream.linear.gather @p0 [hbm4b:s9+s16], $0x80, $0x38;
	[tilespmem:$0x1EB00] =	vst v63  }
0x71: {  	s9 =	rddreg [dreg:$0x8]  }
0x72: {  	s18 =	rddreg [dreg:$0x6];
	s17 =	simm.s32 @p0 $0x14280;
	s9 =	sadd.s32 @!p0 $0x0, s9  }
0x73: {  	[tilespmem:s17], [sflag:$0x3] =	stream.linear.gather @p0 [hbm4b:s18+s16], $0x80, $0x38;
	[tilespmem:$0x1EB00] =	vst v63  }
0x74: {  	s16 =	rddreg [dreg:$0x7];
	s17 =	simm.s32 @!p0 $0x0;
	s18 =	simm.s32 @!p0 $0x14200  }
0x75: {  	[tilespmem:s18], [sflag:$0x3] =	stream.linear.gather @!p0 [hbm4b:s9+s17], $0x70, $0x38;
	[tilespmem:$0x1EB00] =	vst v63  }
0x76: {  	s9 =	sadd.s32 @!p0 $0x0, s16;
	s16 =	simm.s32 @!p0 $0x14280  }
0x77: {  	[tilespmem:s16], [sflag:$0x3] =	stream.linear.gather @!p0 [hbm4b:s9+s17], $0x70, $0x38;
	[tilespmem:$0x1EB00] =	vst v63  }
0x78: {  	_ =	swait.ge [sflag:s30], $0x70  }
0x79: {  	[sflag:s30] =	ssyncset.done $0x0  }
0x7a: {  	[sflag:s30] =	ssyncadd.s32 $0xFFFFFF90  }
0x7b: {  	_ =	swait.ge [sflag:s30], $0x70  }
0x7c: {  	[sflag:s30] =	ssyncset.done $0x0  }
0x7d: {  	[sflag:s30] =	ssyncadd.s32 $0xFFFFFF90  }
0x7e: {  	[tilespmem:s31], [sflag:$0x5] =	stream.indirect.gather [hbm4b:s1+s25], $0x80, s22, s25, $0xb8;
	[tilespmem:$0x1EB00] =	vst v63  }
0x7f: {  	_ =	swait.ge [sflag:s0], $0x3800  }
0x80: {  	s18 =	smov.u32 s14;
	s16 =	simm.s32 $0x2A;
	[sflag:s0] =	ssyncset.done $0x0  }
.LBB2_2:
0x81: {  	[sflag:s0] =	ssyncadd.s32 $0xFFFFC800  }
0x82: {  	[spmem:s4] =	stream.indirect.scatter.add.f32 [tilespmem:s26], [sflag:$0x7], $0x80, s21, s25, $0xb8;
	[tilespmem:$0x1EB00] =	vst v63  }
0x83: {  	s18 =	sadd.s32 $0x150, s18;
	_ =	swait.ge [sflag:s3], $0x3800  }
0x84: {  	s17 =	sshrl.u32 s18, $0x3;
	[sflag:s3] =	ssyncset.done $0x0  }
0x85: {  	s19 =	sadd.s32 s2, s17;
	[sflag:s3] =	ssyncadd.s32 $0xFFFFC800  }
0x86: {  	[tilespmem:s20], [sflag:$0x1] =	stream.linear.gather [hbm4b:s19+s5], $0x70, $0x38;
	[tilespmem:$0x1EB00] =	vst v63  }
0x87: {  	s17 =	sadd.s32 s6, s17  }
0x88: {  	[tilespmem:s21], [sflag:$0x1] =	stream.linear.gather [hbm4b:s17+s5], $0x70, $0x38;
	[tilespmem:$0x1EB00] =	vst v63  }
0x89: {  	_ =	swait.ge [sflag:s7], $0x70  }
0x8a: {  	[sflag:s7] =	ssyncset.done $0x0  }
0x8b: {  	[sflag:s7] =	ssyncadd.s32 $0xFFFFFF90  }
0x8c: {  	_ =	swait.ge [sflag:s7], $0x70  }
0x8d: {  	[sflag:s7] =	ssyncset.done $0x0  }
0x8e: {  	s14 =	simm.s32 $0x14200;
	[sflag:s7] =	ssyncadd.s32 $0xFFFFFF90  }
0x8f: {  	[tilespmem:s8], [sflag:$0x6] =	stream.indirect.gather [hbm4b:s1+s25], $0x80, s14, s25, $0xb8;
	[tilespmem:$0x1EB00] =	vst v63  }
0x90: {  	_ =	swait.ge [sflag:s10], $0x3800  }
0x91: {  	[sflag:s10] =	ssyncset.done $0x0  }
0x92: {  	[sflag:s10] =	ssyncadd.s32 $0xFFFFC800  }
0x93: {  	[spmem:s4] =	stream.indirect.scatter.add.f32 [tilespmem:s31], [sflag:$0x8], $0x80, s23, s25, $0xb8;
	[tilespmem:$0x1EB00] =	vst v63  }
0x94: {  	_ =	swait.ge [sflag:s11], $0x3800  }
0x95: {  	s9 =	smov.u32 s16;
	s14 =	rddreg [dreg:$0xa];
	[sflag:s11] =	ssyncset.done $0x0  }
0x96: {  	s15 =	rddreg [dreg:$0x9];
	[sflag:s11] =	ssyncadd.s32 $0xFFFFC800;
	s17 =	sadd.s32 s9, s14  }
0x97: {  	[tilespmem:s22], [sflag:$0x2] =	stream.linear.gather [hbm4b:s17+s5], $0x70, $0x38;
	[tilespmem:$0x1EB00] =	vst v63  }
0x98: {  	s28 =	sadd.s32 s9, s15  }
0x99: {  	[tilespmem:s23], [sflag:$0x2] =	stream.linear.gather [hbm4b:s28+s5], $0x70, $0x38;
	[tilespmem:$0x1EB00] =	vst v63  }
0x9a: {  	_ =	swait.ge [sflag:s24], $0x70  }
0x9b: {  	[sflag:s24] =	ssyncset.done $0x0  }
0x9c: {  	[sflag:s24] =	ssyncadd.s32 $0xFFFFFF90  }
0x9d: {  	_ =	swait.ge [sflag:s24], $0x70  }
0x9e: {  	[sflag:s24] =	ssyncset.done $0x0  }
0x9f: {  	[sflag:s24] =	ssyncadd.s32 $0xFFFFFF90  }
0xa0: {  	[tilespmem:s26], [sflag:$0x4] =	stream.indirect.gather [hbm4b:s1+s25], $0x80, s20, s25, $0xb8;
	[tilespmem:$0x1EB00] =	vst v63  }
0xa1: {  	_ =	swait.ge [sflag:s12], $0x3800  }
0xa2: {  	[sflag:s12] =	ssyncset.done $0x0  }
0xa3: {  	s29 =	simm.s32 $0x14280;
	[sflag:s12] =	ssyncadd.s32 $0xFFFFC800  }
0xa4: {  	[spmem:s4] =	stream.indirect.scatter.add.f32 [tilespmem:s8], [sflag:$0x9], $0x80, s29, s25, $0xb8;
	[tilespmem:$0x1EB00] =	vst v63  }
0xa5: {  	p1 =	seq.s32 s9, $0x498;
	_ =	swait.ge [sflag:s13], $0x3800  }
0xa6: {  	s15 =	simm.s32 @p1 $0x0;
	s20 =	smov.u32 s6;
	s17 =	rddreg [dreg:$0x5]  }
0xa7: {  	s6 =	smov.u32 s2;
	[sflag:s13] =	ssyncset.done $0x0;
	s19 =	rddreg [dreg:$0x8]  }
0xa8: {  	s2 =	simm.s32 @p1 $0x14200;
	s14 =	rddreg [dreg:$0x6];
	[sflag:s13] =	ssyncadd.s32 $0xFFFFC800  }
0xa9: {  	[tilespmem:s2], [sflag:$0x3] =	stream.linear.gather @p1 [hbm4b:s17+s15], $0x80, $0x38;
	[tilespmem:$0x1EB00] =	vst v63  }
0xaa: {  	s28 =	simm.s32 @p1 $0x14280;
	s29 =	rddreg [dreg:$0x7]  }
0xab: {  	[tilespmem:s28], [sflag:$0x3] =	stream.linear.gather @p1 [hbm4b:s14+s15], $0x80, $0x38;
	[tilespmem:$0x1EB00] =	vst v63  }
0xac: {  	s2 =	sadd.s32 @!p1 s9, s19;
	s17 =	simm.s32 @!p1 $0x0;
	s19 =	simm.s32 @!p1 $0x14200  }
0xad: {  	[tilespmem:s19], [sflag:$0x3] =	stream.linear.gather @!p1 [hbm4b:s2+s17], $0x70, $0x38;
	[tilespmem:$0x1EB00] =	vst v63  }
0xae: {  	s9 =	sadd.s32 @!p1 s9, s29;
	s14 =	simm.s32 @!p1 $0x14280  }
0xaf: {  	[tilespmem:s14], [sflag:$0x3] =	stream.linear.gather @!p1 [hbm4b:s9+s17], $0x70, $0x38;
	[tilespmem:$0x1EB00] =	vst v63  }
0xb0: {  	_ =	swait.ge [sflag:s30], $0x70  }
0xb1: {  	[sflag:s30] =	ssyncset.done $0x0  }
0xb2: {  	s16 =	sadd.s32 $0x2A, s16;
	[sflag:s30] =	ssyncadd.s32 $0xFFFFFF90  }
0xb3: {  	p0 =	sne.s32 s16, $0x4C2;
	_ =	swait.ge [sflag:s30], $0x70  }
.Ltmp0:
0xb4: {  	[sflag:s30] =	ssyncset.done $0x0;
	(pc) =	sbr.rel @p0 .LBB2_2-.Ltmp0, $4  }
0xb5: {  	[sflag:s30] =	ssyncadd.s32 $0xFFFFFF90  }
0xb6: {  	[tilespmem:s31], [sflag:$0x5] =	stream.indirect.gather [hbm4b:s1+s25], $0x80, s22, s25, $0xb8;
	[tilespmem:$0x1EB00] =	vst v63  }
0xb7: {  	s2 =	smov.u32 s6;
	_ =	swait.ge [sflag:s0], $0x3800  }
0xb8: {  	s6 =	smov.u32 s20;
	s20 =	simm.s32 $0x14000;
	[sflag:s0] =	ssyncset.done $0x0  }
0xb9: {  	[sflag:s0] =	ssyncadd.s32 $0xFFFFC800  }
0xba: {  	[spmem:s4] =	stream.indirect.scatter.add.f32 [tilespmem:s26], [sflag:$0x7], $0x80, s21, s25, $0xb8;
	[tilespmem:$0x1EB00] =	vst v63  }
0xbb: {  	_ =	swait.ge [sflag:s7], $0x70  }
0xbc: {  	[sflag:s7] =	ssyncset.done $0x0  }
0xbd: {  	[sflag:s7] =	ssyncadd.s32 $0xFFFFFF90  }
0xbe: {  	_ =	swait.ge [sflag:s7], $0x70  }
0xbf: {  	[sflag:s7] =	ssyncset.done $0x0  }
0xc0: {  	s9 =	simm.s32 $0x14200;
	[sflag:s7] =	ssyncadd.s32 $0xFFFFFF90  }
0xc1: {  	[tilespmem:s8], [sflag:$0x6] =	stream.indirect.gather [hbm4b:s1+s25], $0x80, s9, s25, $0xb8;
	[tilespmem:$0x1EB00] =	vst v63  }
0xc2: {  	_ =	swait.ge [sflag:s10], $0x3800  }
0xc3: {  	[sflag:s10] =	ssyncset.done $0x0  }
0xc4: {  	[sflag:s10] =	ssyncadd.s32 $0xFFFFC800  }
0xc5: {  	[spmem:s4] =	stream.indirect.scatter.add.f32 [tilespmem:s31], [sflag:$0x8], $0x80, s23, s25, $0xb8;
	[tilespmem:$0x1EB00] =	vst v63  }
0xc6: {  	_ =	swait.ge [sflag:s12], $0x3800  }
0xc7: {  	[sflag:s12] =	ssyncset.done $0x0  }
0xc8: {  	s19 =	simm.s32 $0x14280;
	[sflag:s12] =	ssyncadd.s32 $0xFFFFC800  }
0xc9: {  	[spmem:s4] =	stream.indirect.scatter.add.f32 [tilespmem:s8], [sflag:$0x9], $0x80, s19, s25, $0xb8;
	[tilespmem:$0x1EB00] =	vst v63  }
0xca: {  	_ =	swait.ge [sflag:s3], $0x3800  }
0xcb: {  	[sflag:s3] =	ssyncset.done $0x0  }
0xcc: {  	[sflag:s3] =	ssyncadd.s32 $0xFFFFC800  }
0xcd: {  	_ =	swait.ge [sflag:s11], $0x3800  }
0xce: {  	[sflag:s11] =	ssyncset.done $0x0  }
0xcf: {  	[sflag:s11] =	ssyncadd.s32 $0xFFFFC800  }
0xd0: {  	_ =	swait.ge [sflag:s13], $0x3800  }
0xd1: {  	[sflag:s13] =	ssyncset.done $0x0  }
0xd2: {  	[sflag:s13] =	ssyncadd.s32 $0xFFFFC800  }
0xd3: {  	[bflag:$0x0] =	sbarrier.arrive $0xFFFF  }
0xd4: {  	s14 =	rddreg [dreg:$0xd]  }
0xd5: {  	s28 =	rddreg [dreg:$0x14]  }
0xd6: {  	s15 =	rddreg [dreg:$0x18]  }
0xd7: {  	[hbm:s28], [sflag:s14] =	dma.local [spmem:s15], $0x2800  }
0xd8: {  	s15 =	simm.s32 $0xA  }
0xd9: {  	_ =	swait.ge [sflag:s15], $0x2800  }
0xda: {  	s16 =	rddreg [dreg:$0x17]  }
0xdb: {  	s29 =	rddreg [dreg:$0x15];
	s16 =	sadd.s32 $0x1, s16  }
0xdc: {  	p0 =	sne.s32 s16, s29  }
.Ltmp1:
0xdd: {  	_ = 	snop;
	(pc) =	sbr.rel @p0 .LBB2_1-.Ltmp1, $3  }
0xde: {  	_ =	sdelay $0x1  }
0xdf: {  	[sflag:s15] =	ssyncset.done $0x0  }
0xe0: {  	[sflag:s15] =	ssyncadd.s32 $0xFFFFD800  }
0xe1: {  	_ =	sfence.sel $0x180000  }
0xe2: {  	[bflag:$0x0] =	sbarrier.arrive $0xFFFF  }
0xe3: {  	_ =	strace $0x90000047  }
0xe4: {  	s0 =	stileid.u32;
	[bflag:$0x2] =	sbarrier.arrive $0xFFFF  }
0xe5: {  	p0 =	sne.s32 s0, $0x0;
	s0 =	rddreg [dreg:$0x4]  }
0xe6: {  	s0 =	sadd.s32 @!p0 $0x100000, s0  }
0xe7: {  	[sflag:s0] =	ssyncadd.tile.s32 @!p0 $0x1;
	_ =	shalt  }
.Lfunc_end2:
_tile_overlayer_lowered:
.L_overlay_start_2:
0xe8: {  	(tag) =	ssettag $0x2  }
0xe9: {  	s0 =	rddreg [dreg:$0x0];
	s2 =	stileid.u32  }
0xea: {  	s1 =	rddreg [dreg:$0x1];
	p0 =	sne.s32 s2, $0x0  }
0xeb: {  	s3 =	rddreg [dreg:$0x2];
	[bflag:$0x3] =	sbarrier.arrive $0xFFFF;
	s2 =	simm.s32 @!p0 $0x1C0A  }
0xec: {  	[timem:s3], [sflag:s2] =	dma.local @!p0 [hbm:s0], s1  }
0xed: {  	s0 =	simm.s32 @!p0 $0xA  }
0xee: {  	_ =	swait.ge @!p0 [sflag:s0], s1  }
0xef: {  	s1 =	ssub.s32 @!p0 $0x0, s1;
	[sflag:s0] =	ssyncset.done @!p0 $0x0  }
0xf0: {  	[sflag:s0] =	ssyncadd.s32 @!p0 s1  }
0xf1: {  	[bflag:$0x3] =	sbarrier.arrive $0xFFFF  }
0xf2: {  	_ =	shalt  }

</sc_bundles>
